<compile_context>
chip_gen: v7x
topology: tpu7x:2x2x1
jax: 0.10.2.dev20260603
libtpu: 0.0.44.dev20260713+nightly
codegen_flags: <defaults>
</compile_context>

<pallas_src>
import functools

import jax
import jax.numpy as jnp
from jax import lax
from jax.experimental import pallas as pl
from jax.experimental.pallas import tpu as pltpu
from jax.experimental.pallas import tpu_sc as plsc

NCORE = 2
NSUB = 16
NW = NCORE * NSUB
LANE = 64
G = 256


def _mesh():
    return plsc.VectorSubcoreMesh(core_axis_name="c", subcore_axis_name="s",
                                  num_cores=NCORE, num_subcores=NSUB)




@functools.lru_cache(maxsize=None)
def _deg_kernel(n_chunks, nacc):
    cpt = n_chunks // NW
    zr = nacc // NSUB

    def body(dst_hbm, z_hbm, out_hbm, dst_v, e0_v, acc, _sem):
        cid = lax.axis_index("c")
        sid = lax.axis_index("s")
        wid = cid * NSUB + sid
        zbase = pl.multiple_of(sid * zr, 8)
        ebase = pl.multiple_of(wid * cpt, 8)
        pltpu.sync_copy(z_hbm, acc.at[pl.ds(zbase, zr)])
        pltpu.sync_copy(dst_hbm.at[pl.ds(ebase, cpt)], dst_v)
        one_hot = jnp.where(lax.iota(jnp.int32, 16) == 0, 1.0, 0.0)

        def fill(i, carry):
            e0_v[i] = one_hot
            return carry

        lax.fori_loop(0, LANE, fill, 0)
        plsc.subcore_barrier()

        def step(c, carry):
            pltpu.sync_copy(e0_v, acc.at[dst_v.at[c]], add=True)
            return carry

        lax.fori_loop(0, cpt, step, 0)
        plsc.subcore_barrier()
        pltpu.sync_copy(acc.at[pl.ds(zbase, zr)],
                        out_hbm.at[cid, pl.ds(zbase, zr)])

    return pl.kernel(
        body,
        out_type=jax.ShapeDtypeStruct((NCORE, nacc, 16), jnp.float32),
        mesh=_mesh(),
        scratch_types=[
            pltpu.VMEM((cpt, LANE), jnp.int32),
            pltpu.VMEM((LANE, 16), jnp.float32),
            pltpu.VMEM_SHARED((nacc, 16), jnp.float32),
            pltpu.SemaphoreType.DMA,
        ],
    )


NB = 2
LA = 1


@functools.lru_cache(maxsize=None)
def _msg_kernel(n_chunks, n, npad, feat):
    cpt = n_chunks // NW
    nacc = ((n + 128) // 128) * 128
    zr = nacc // NSUB
    tail = npad - nacc
    assert cpt >= 2 * NB and zr % 8 == 0 and tail >= 0

    def body(g_hbm, idx_hbm, z_hbm, out_hbm,
             idx_v, rows_v, acc, gsem, ssem):
        cid = lax.axis_index("c")
        sid = lax.axis_index("s")
        wid = cid * NSUB + sid
        zbase = pl.multiple_of(sid * zr, 8)
        ebase = pl.multiple_of(wid * cpt, 8)
        pltpu.sync_copy(z_hbm.at[pl.ds(0, zr)], acc.at[pl.ds(zbase, zr)])
        pltpu.sync_copy(idx_hbm.at[pl.ds(ebase, cpt)], idx_v)
        if tail:
            @pl.when(sid == 0)
            def _():
                pltpu.sync_copy(z_hbm.at[pl.ds(0, tail)],
                                out_hbm.at[cid, pl.ds(nacc, tail)])
        plsc.subcore_barrier()

        def src_at(c):
            return idx_v.at[c, pl.ds(0, LANE)]

        def dst_at(c):
            return idx_v.at[c, pl.ds(LANE, LANE)]

        def gather_start(c, b):
            pltpu.async_copy(g_hbm.at[src_at(c)], rows_v.at[b], gsem.at[b])

        def gather_wait(c, b):
            pltpu.make_async_copy(g_hbm.at[src_at(c)], rows_v.at[b],
                                  gsem.at[b]).wait()

        def scatter_start(c, b):
            pltpu.async_copy(rows_v.at[b], acc.at[dst_at(c)], ssem.at[b],
                             add=True)

        def scatter_wait(c, b):
            pltpu.make_async_copy(rows_v.at[b], acc.at[dst_at(c)],
                                  ssem.at[b]).wait()

        for k in range(LA):
            gather_start(k, k)

        def step(c, carry):
            ca = c + LA
            ba = lax.rem(ca, NB)

            @pl.when(ca < cpt)
            def _():
                @pl.when(ca >= NB)
                def _():
                    scatter_wait(ca - NB, ba)
                gather_start(ca, ba)

            b = lax.rem(c, NB)
            gather_wait(c, b)
            scatter_start(c, b)
            return carry

        lax.fori_loop(0, cpt, step, 0)
        for k in range(NB):
            c = cpt - NB + k
            scatter_wait(c, c % NB)
        plsc.subcore_barrier()
        pltpu.sync_copy(acc.at[pl.ds(zbase, zr)],
                        out_hbm.at[cid, pl.ds(zbase, zr)])

    return pl.kernel(
        body,
        out_type=jax.ShapeDtypeStruct((NCORE, npad, feat), jnp.float32),
        mesh=_mesh(),
        scratch_types=[
            pltpu.VMEM((cpt, 2 * LANE), jnp.int32),
            pltpu.VMEM((NB, LANE, feat), jnp.float32),
            pltpu.VMEM_SHARED((nacc, feat), jnp.float32),
            pltpu.SemaphoreType.DMA((NB,)),
            pltpu.SemaphoreType.DMA((NB,)),
        ],
    )




def _dinv(d0, d1):
    return lax.rsqrt(d0 + d1 + 1.0)


def _l1_body(x_ref, w_ref, d0_ref, d1_ref, o_ref):
    dinv = _dinv(d0_ref[...], d1_ref[...])
    o_ref[...] = dinv * jnp.dot(x_ref[...], w_ref[...],
                                preferred_element_type=jnp.float32)


def _l23_body(p_ref, g_ref, d0_ref, d1_ref, b_ref, w_ref, o_ref):
    dinv = _dinv(d0_ref[...], d1_ref[...])
    xl = jnp.maximum(dinv * (p_ref[0] + p_ref[1] + g_ref[...]) + b_ref[...],
                     0.0)
    o_ref[...] = dinv * jnp.dot(xl, w_ref[...],
                                preferred_element_type=jnp.float32)


@functools.lru_cache(maxsize=None)
def _l1_call(npad, feat, bn):
    nb = npad // bn
    return pl.pallas_call(
        _l1_body,
        grid=(nb,),
        in_specs=[
            pl.BlockSpec((bn, feat), lambda i: (i, 0)),
            pl.BlockSpec((feat, feat), lambda i: (0, 0)),
            pl.BlockSpec((bn, 1), lambda i: (i, 0)),
            pl.BlockSpec((bn, 1), lambda i: (i, 0)),
        ],
        out_specs=pl.BlockSpec((bn, feat), lambda i: (i, 0)),
        out_shape=jax.ShapeDtypeStruct((npad, feat), jnp.float32),
    )


@functools.lru_cache(maxsize=None)
def _l23_call(npad, feat, bn):
    nb = npad // bn
    return pl.pallas_call(
        _l23_body,
        grid=(nb,),
        in_specs=[
            pl.BlockSpec((NCORE, bn, feat), lambda i: (0, i, 0)),
            pl.BlockSpec((bn, feat), lambda i: (i, 0)),
            pl.BlockSpec((bn, 1), lambda i: (i, 0)),
            pl.BlockSpec((bn, 1), lambda i: (i, 0)),
            pl.BlockSpec((1, feat), lambda i: (0, 0)),
            pl.BlockSpec((feat, feat), lambda i: (0, 0)),
        ],
        out_specs=pl.BlockSpec((bn, feat), lambda i: (i, 0)),
        out_shape=jax.ShapeDtypeStruct((npad, feat), jnp.float32),
    )


@functools.lru_cache(maxsize=None)
def _final_call(npad, feat, bn, ncls):
    nb = npad // bn

    def body(p_ref, g_ref, d0_ref, d1_ref, b_ref, batch_ref, wl_ref, bl_ref,
             o_ref, sums, cnt):
        i = pl.program_id(0)

        @pl.when(i == 0)
        def _():
            sums[...] = jnp.zeros_like(sums)
            cnt[...] = jnp.zeros_like(cnt)

        dinv = _dinv(d0_ref[...], d1_ref[...])
        h3 = dinv * (p_ref[0] + p_ref[1] + g_ref[...]) + b_ref[...]
        gid = lax.broadcasted_iota(jnp.int32, (G, bn), 0)
        oh = (gid == batch_ref[...]).astype(jnp.float32)
        sums[...] += jnp.dot(oh, h3, preferred_element_type=jnp.float32)
        cnt[...] += jnp.sum(oh, axis=1, keepdims=True)

        @pl.when(i == nb - 1)
        def _():
            pooled = sums[...] / jnp.maximum(cnt[...], 1.0)
            o_ref[...] = jnp.dot(pooled, wl_ref[...],
                                 preferred_element_type=jnp.float32) + bl_ref[...]

    return pl.pallas_call(
        body,
        grid=(nb,),
        in_specs=[
            pl.BlockSpec((NCORE, bn, feat), lambda i: (0, i, 0)),
            pl.BlockSpec((bn, feat), lambda i: (i, 0)),
            pl.BlockSpec((bn, 1), lambda i: (i, 0)),
            pl.BlockSpec((bn, 1), lambda i: (i, 0)),
            pl.BlockSpec((1, feat), lambda i: (0, 0)),
            pl.BlockSpec((1, bn), lambda i: (0, i)),
            pl.BlockSpec((feat, ncls), lambda i: (0, 0)),
            pl.BlockSpec((1, ncls), lambda i: (0, 0)),
        ],
        out_specs=pl.BlockSpec((G, ncls), lambda i: (0, 0)),
        out_shape=jax.ShapeDtypeStruct((G, ncls), jnp.float32),
        scratch_shapes=[
            pltpu.VMEM((G, feat), jnp.float32),
            pltpu.VMEM((G, 1), jnp.float32),
        ],
    )




def kernel(x, edge_index, batch, W1, b1, W2, b2, W3, b3, Wlin, blin):
    n, feat = x.shape
    e = edge_index.shape[1]
    ncls = Wlin.shape[1]
    bn = 512
    npad = ((n + 1023) // 1024) * 1024
    echunk = NW * LANE * 8
    epad = ((e + echunk - 1) // echunk) * echunk
    n_chunks = epad // LANE

    nacc = ((n + 128) // 128) * 128
    pad_dst = n + jnp.arange(epad - e, dtype=jnp.int32) % (nacc - n)
    src = jnp.concatenate(
        [edge_index[0], jnp.zeros((epad - e,), jnp.int32)]).reshape(-1, LANE)
    dst = jnp.concatenate(
        [edge_index[1], pad_dst]).reshape(-1, LANE)
    idx = jnp.concatenate([src, dst], axis=1)
    xp = jnp.concatenate([x, jnp.zeros((npad - n, feat), x.dtype)])
    bp = jnp.concatenate([batch, jnp.full((npad - n,), G, batch.dtype)])
    z_rows = jnp.zeros((npad // NSUB, feat), jnp.float32)
    z16 = jnp.zeros((npad // NSUB, 16), jnp.float32)

    deg = _deg_kernel(n_chunks, npad)(dst, z16)
    d0 = deg[0, :, 0:1]
    d1 = deg[1, :, 0:1]

    g1 = _l1_call(npad, feat, bn)(xp, W1, d0, d1)
    p1 = _msg_kernel(n_chunks, n, npad, feat)(g1, idx, z_rows)
    g2 = _l23_call(npad, feat, bn)(p1, g1, d0, d1, b1.reshape(1, -1), W2)
    p2 = _msg_kernel(n_chunks, n, npad, feat)(g2, idx, z_rows)
    g3 = _l23_call(npad, feat, bn)(p2, g2, d0, d1, b2.reshape(1, -1), W3)
    p3 = _msg_kernel(n_chunks, n, npad, feat)(g3, idx, z_rows)
    out = _final_call(npad, feat, bn, ncls)(
        p3, g3, d0, d1, b3.reshape(1, -1), bp.reshape(1, -1), Wlin,
        blin.reshape(1, -1))
    return out

# --- scband reference (transcript-rebuilt; emitter-appended) ---
"""Pipeline reference for scband-gcn-76647986364675 (READ-ONLY COPY).

The authoritative reference and input builder live on the scoring server;
editing this copy changes nothing except your own understanding.
"""

import jax, jax.numpy as jnp
import numpy as np

N = 10000
E = 320000
D = 128
H = 128
C = 10
G = 256


def gcn_conv(x, edge_index, W, b, num_nodes):
    # PyG GCNConv: add self-loops, symmetric normalization, linear transform, scatter-add
    src = edge_index[0]
    dst = edge_index[1]
    loop = jnp.arange(num_nodes, dtype=src.dtype)
    src = jnp.concatenate([src, loop])
    dst = jnp.concatenate([dst, loop])
    deg = jnp.zeros((num_nodes,), dtype=x.dtype).at[dst].add(1.0)
    dinv = jnp.where(deg > 0, deg ** -0.5, 0.0)
    norm = dinv[src] * dinv[dst]
    h = x @ W
    msg = h[src] * norm[:, None]
    out = jnp.zeros((num_nodes, W.shape[1]), dtype=x.dtype).at[dst].add(msg)
    return out + b


def global_mean_pool(x, batch, num_graphs):
    sums = jax.ops.segment_sum(x, batch, num_segments=num_graphs)
    cnt = jax.ops.segment_sum(jnp.ones((x.shape[0],), dtype=x.dtype), batch, num_segments=num_graphs)
    return sums / jnp.clip(cnt, 1.0)[:, None]


def setup_inputs(seed: int = 0):
    key = jax.random.key(seed)
    ks = jax.random.split(key, 12)
    x = jax.random.normal(ks[0], (N, D), dtype=jnp.float32)
    edge_index = jax.random.randint(ks[1], (2, E), 0, N, dtype=jnp.int32)
    batch = jnp.sort(jax.random.randint(ks[2], (N,), 0, G, dtype=jnp.int32))
    s1 = 1.0 / np.sqrt(D)
    s2 = 1.0 / np.sqrt(H)
    W1 = jax.random.normal(ks[3], (D, H), dtype=jnp.float32) * s1
    b1 = jnp.zeros((H,), dtype=jnp.float32)
    W2 = jax.random.normal(ks[4], (H, H), dtype=jnp.float32) * s2
    b2 = jnp.zeros((H,), dtype=jnp.float32)
    W3 = jax.random.normal(ks[5], (H, H), dtype=jnp.float32) * s2
    b3 = jnp.zeros((H,), dtype=jnp.float32)
    Wlin = jax.random.normal(ks[6], (H, C), dtype=jnp.float32) * s2
    blin = jnp.zeros((C,), dtype=jnp.float32)
    return {"x": x, "edge_index": edge_index, "batch": batch, "W1": W1, "b1": b1, "W2": W2, "b2": b2, "W3": W3, "b3": b3, "Wlin": Wlin, "blin": blin}


def reference(x, edge_index, batch, W1, b1, W2, b2, W3, b3, Wlin, blin):
    num_nodes = x.shape[0]
    h = gcn_conv(x, edge_index, W1, b1, num_nodes)
    h = jax.nn.relu(h)
    h = gcn_conv(h, edge_index, W2, b2, num_nodes)
    h = jax.nn.relu(h)
    h = gcn_conv(h, edge_index, W3, b3, num_nodes)
    h = global_mean_pool(h, batch, G)
    # dropout is identity in eval mode
    out = h @ Wlin + blin
    return out

if __name__ == "__main__":
    import jax
    _d = setup_inputs()
    print(jax.jit(kernel)(*tuple(_d.values())))

</pallas_src>

<mosaic_0001>
#map = affine_map<(d0, d1) -> (0, 0)>
#map1 = affine_map<(d0, d1) -> (0, 0, 0)>
module attributes {stable_mosaic.version = 14 : i64} {
  func.func @body(%arg0: i32, %arg1: i32, %arg2: memref<10240x128xf32, #tpu.memory_space<hbm>>, %arg3: memref<5120x128xi32, #tpu.memory_space<hbm>>, %arg4: memref<640x128xf32, #tpu.memory_space<hbm>>, %arg5: memref<2x10240x128xf32, #tpu.memory_space<hbm>>, %arg6: memref<160x128xi32, #tpu.memory_space<vmem>>, %arg7: memref<2x64x128xf32, #tpu.memory_space<vmem>>, %arg8: memref<10112x128xf32, #tpu.memory_space<vmem_shared>>, %arg9: memref<2x!tpu.dma_semaphore, #tpu.memory_space<semaphore_mem>>, %arg10: memref<2x!tpu.dma_semaphore, #tpu.memory_space<semaphore_mem>>) attributes {dimension_semantics = [#tpu.dimension_semantics<core_parallel>, #tpu.dimension_semantics<subcore_parallel>], iteration_bounds = array<i64: 2, 16>, scalar_prefetch = 0 : i64, scratch_operands = 5 : i64, tpu.core_type = #tpu.core_type<sc_vector_subcore>, window_params = [{transform_indices = #map}, {transform_indices = #map}, {transform_indices = #map}, {transform_indices = #map1}]} {
    %mul3A = arith.constant 16 : i32
    %mul3A_0 = arith.muli %arg0, %mul3A : i32
    %add3A = arith.addi %mul3A_0, %arg1 : i32
    %mul3A_1 = arith.constant 632 : i32
    %mul3A_2 = arith.muli %arg1, %mul3A_1 : i32
    %multiple_of3A = tpu.assume_multiple %mul3A_2, 8 : i32
    %mul3A_3 = arith.constant 160 : i32
    %mul3A_4 = arith.muli %add3A, %mul3A_3 : i32
    %multiple_of3A_5 = tpu.assume_multiple %mul3A_4, 8 : i32
    "tpu.region"() ({
      %run_scoped3A = tpu.sem_alloc : memref<!tpu.dma_semaphore, #tpu.memory_space<semaphore_mem>>
      %dma_start3A_57 = arith.constant 0 : i32
      %dma_start3A_58 = tpu.memref_slice %arg8[%multiple_of3A, %dma_start3A_57] : memref<10112x128xf32, #tpu.memory_space<vmem_shared>> -> memref<632x128xf32, #tpu.memory_space<vmem_shared>>
      %dma_start3A_59 = arith.constant 0 : i32
      %dma_start3A_60 = arith.constant 0 : i32
      %dma_start3A_61 = tpu.memref_slice %arg4[%dma_start3A_59, %dma_start3A_60] : memref<640x128xf32, #tpu.memory_space<hbm>> -> memref<632x128xf32, #tpu.memory_space<hbm>>
      tpu.enqueue_dma source(%dma_start3A_61 : memref<632x128xf32, #tpu.memory_space<hbm>>) target(%dma_start3A_58 : memref<632x128xf32, #tpu.memory_space<vmem_shared>>) target_semaphore(%run_scoped3A : memref<!tpu.dma_semaphore, #tpu.memory_space<semaphore_mem>>)
      %dma_wait3A_62 = arith.constant 0 : i32
      %dma_wait3A_63 = tpu.memref_slice %arg8[%multiple_of3A, %dma_wait3A_62] : memref<10112x128xf32, #tpu.memory_space<vmem_shared>> -> memref<632x128xf32, #tpu.memory_space<vmem_shared>>
      %dma_wait3A_64 = arith.constant 0 : i32
      %dma_wait3A_65 = arith.constant 0 : i32
      %dma_wait3A_66 = tpu.memref_slice %arg4[%dma_wait3A_64, %dma_wait3A_65] : memref<640x128xf32, #tpu.memory_space<hbm>> -> memref<632x128xf32, #tpu.memory_space<hbm>>
      tpu.wait_dma2 semaphore(%run_scoped3A : memref<!tpu.dma_semaphore, #tpu.memory_space<semaphore_mem>>) src(%dma_wait3A_66 : memref<632x128xf32, #tpu.memory_space<hbm>>) dst(%dma_wait3A_63 : memref<632x128xf32, #tpu.memory_space<vmem_shared>>)
      tpu.yield
    }) : () -> ()
    "tpu.region"() ({
      %run_scoped3A = tpu.sem_alloc : memref<!tpu.dma_semaphore, #tpu.memory_space<semaphore_mem>>
      %dma_start3A_57 = arith.constant 0 : i32
      %dma_start3A_58 = tpu.memref_slice %arg3[%multiple_of3A_5, %dma_start3A_57] : memref<5120x128xi32, #tpu.memory_space<hbm>> -> memref<160x128xi32, #tpu.memory_space<hbm>>
      %dma_start3A_59 = arith.constant 0 : i32
      %dma_start3A_60 = tpu.memref_slice %arg3[%multiple_of3A_5, %dma_start3A_59] : memref<5120x128xi32, #tpu.memory_space<hbm>> -> memref<160x128xi32, #tpu.memory_space<hbm>>
      tpu.enqueue_dma source(%dma_start3A_60 : memref<160x128xi32, #tpu.memory_space<hbm>>) target(%arg6 : memref<160x128xi32, #tpu.memory_space<vmem>>) target_semaphore(%run_scoped3A : memref<!tpu.dma_semaphore, #tpu.memory_space<semaphore_mem>>)
      %dma_wait3A_61 = arith.constant 0 : i32
      %dma_wait3A_62 = tpu.memref_slice %arg3[%multiple_of3A_5, %dma_wait3A_61] : memref<5120x128xi32, #tpu.memory_space<hbm>> -> memref<160x128xi32, #tpu.memory_space<hbm>>
      %dma_wait3A_63 = arith.constant 0 : i32
      %dma_wait3A_64 = tpu.memref_slice %arg3[%multiple_of3A_5, %dma_wait3A_63] : memref<5120x128xi32, #tpu.memory_space<hbm>> -> memref<160x128xi32, #tpu.memory_space<hbm>>
      tpu.wait_dma2 semaphore(%run_scoped3A : memref<!tpu.dma_semaphore, #tpu.memory_space<semaphore_mem>>) src(%dma_wait3A_64 : memref<160x128xi32, #tpu.memory_space<hbm>>) dst(%arg6 : memref<160x128xi32, #tpu.memory_space<vmem>>)
      tpu.yield
    }) : () -> ()
    %eq3A = arith.constant 0 : i32
    %eq3A_6 = arith.cmpi eq, %arg1, %eq3A : i32
    %convert_element_type3A = arith.extui %eq3A_6 : i1 to i32
    %cond3A = arith.constant 0 : i32
    %cond3A_7 = arith.cmpi ne, %convert_element_type3A, %cond3A : i32
    scf.if %cond3A_7 {
      "tpu.region"() ({
        %run_scoped3A = tpu.sem_alloc : memref<!tpu.dma_semaphore, #tpu.memory_space<semaphore_mem>>
        %dma_start3A_57 = arith.constant 10112 : i32
        %dma_start3A_58 = arith.constant 0 : i32
        %dma_start3A_59 = tpu.memref_slice %arg5[%arg0, %dma_start3A_57, %dma_start3A_58] : memref<2x10240x128xf32, #tpu.memory_space<hbm>> -> memref<1x128x128xf32, #tpu.memory_space<hbm>>
        %dma_start3A_60 = tpu.memref_squeeze %dma_start3A_59 : memref<1x128x128xf32, #tpu.memory_space<hbm>> -> memref<128x128xf32, #tpu.memory_space<hbm>>
        %dma_start3A_61 = arith.constant 0 : i32
        %dma_start3A_62 = arith.constant 0 : i32
        %dma_start3A_63 = tpu.memref_slice %arg4[%dma_start3A_61, %dma_start3A_62] : memref<640x128xf32, #tpu.memory_space<hbm>> -> memref<128x128xf32, #tpu.memory_space<hbm>>
        tpu.enqueue_dma source(%dma_start3A_63 : memref<128x128xf32, #tpu.memory_space<hbm>>) target(%dma_start3A_60 : memref<128x128xf32, #tpu.memory_space<hbm>>) target_semaphore(%run_scoped3A : memref<!tpu.dma_semaphore, #tpu.memory_space<semaphore_mem>>)
        %dma_wait3A_64 = arith.constant 10112 : i32
        %dma_wait3A_65 = arith.constant 0 : i32
        %dma_wait3A_66 = tpu.memref_slice %arg5[%arg0, %dma_wait3A_64, %dma_wait3A_65] : memref<2x10240x128xf32, #tpu.memory_space<hbm>> -> memref<1x128x128xf32, #tpu.memory_space<hbm>>
        %dma_wait3A_67 = tpu.memref_squeeze %dma_wait3A_66 : memref<1x128x128xf32, #tpu.memory_space<hbm>> -> memref<128x128xf32, #tpu.memory_space<hbm>>
        %dma_wait3A_68 = arith.constant 0 : i32
        %dma_wait3A_69 = arith.constant 0 : i32
        %dma_wait3A_70 = tpu.memref_slice %arg4[%dma_wait3A_68, %dma_wait3A_69] : memref<640x128xf32, #tpu.memory_space<hbm>> -> memref<128x128xf32, #tpu.memory_space<hbm>>
        tpu.wait_dma2 semaphore(%run_scoped3A : memref<!tpu.dma_semaphore, #tpu.memory_space<semaphore_mem>>) src(%dma_wait3A_70 : memref<128x128xf32, #tpu.memory_space<hbm>>) dst(%dma_wait3A_67 : memref<128x128xf32, #tpu.memory_space<hbm>>)
        tpu.yield
      }) : () -> ()
    } else {
    }
    %barrier3A = arith.constant 0 : index
    tpu.barrier barrier_id(%barrier3A)
    %dma_start3A = arith.constant 0 : i32
    %dma_start3A_8 = arith.constant 0 : i32
    %dma_start3A_9 = arith.constant 0 : i32
    %dma_start3A_10 = arith.constant 0 : i32
    %dma_start3A_11 = arith.constant 0 : i32
    %dma_start3A_12 = tpu.memref_slice %arg7[%dma_start3A_8, %dma_start3A_10, %dma_start3A_11] : memref<2x64x128xf32, #tpu.memory_space<vmem>> -> memref<1x64x128xf32, #tpu.memory_space<vmem>>
    %dma_start3A_13 = tpu.memref_squeeze %dma_start3A_12 : memref<1x64x128xf32, #tpu.memory_space<vmem>> -> memref<64x128xf32, #tpu.memory_space<vmem>>
    %dma_start3A_14 = arith.constant 0 : i32
    %dma_start3A_15 = tpu.memref_slice %arg6[%dma_start3A, %dma_start3A_14] : memref<160x128xi32, #tpu.memory_space<vmem>> -> memref<1x64xi32, #tpu.memory_space<vmem>>
    %dma_start3A_16 = tpu.memref_squeeze %dma_start3A_15 : memref<1x64xi32, #tpu.memory_space<vmem>> -> memref<64xi32, #tpu.memory_space<vmem>>
    %dma_start3A_17 = arith.constant 0 : i32
    %dma_start3A_18 = arith.constant 0 : i32
    %dma_start3A_19 = tpu.memref_slice %arg2[%dma_start3A_17, %dma_start3A_18] : memref<10240x128xf32, #tpu.memory_space<hbm>> -> memref<10240x128xf32, #tpu.memory_space<hbm>>
    %dma_start3A_20 = tpu.memref_slice %arg9[%dma_start3A_9] : memref<2x!tpu.dma_semaphore, #tpu.memory_space<semaphore_mem>> -> memref<1x!tpu.dma_semaphore, #tpu.memory_space<semaphore_mem>>
    %dma_start3A_21 = tpu.memref_squeeze %dma_start3A_20 : memref<1x!tpu.dma_semaphore, #tpu.memory_space<semaphore_mem>> -> memref<!tpu.dma_semaphore, #tpu.memory_space<semaphore_mem>>
    tpu.enqueue_indirect_dma source(%dma_start3A_19 : memref<10240x128xf32, #tpu.memory_space<hbm>>) target(%dma_start3A_13 : memref<64x128xf32, #tpu.memory_space<vmem>>) offsets(%dma_start3A_16 : memref<64xi32, #tpu.memory_space<vmem>>) semaphore(%dma_start3A_21 : memref<!tpu.dma_semaphore, #tpu.memory_space<semaphore_mem>>)
    %scan3A = arith.constant 0 : i32
    %scan3A_22 = arith.constant 0 : i32
    %scan3A_23 = arith.constant 160 : i32
    %scan3A_24 = arith.addi %scan3A_22, %scan3A_23 : i32
    %scan3A_25 = arith.constant 1 : i32
    scf.for %scan3A_57 = %scan3A_22 to %scan3A_24 step %scan3A_25  : i32 {
      %add3A_58 = arith.constant 1 : i32
      %add3A_59 = arith.addi %scan3A_57, %add3A_58 : i32
      %rem3A = arith.constant 2 : i32
      %rem3A_60 = arith.remsi %add3A_59, %rem3A : i32
      %lt3A = arith.constant 160 : i32
      %lt3A_61 = arith.cmpi slt, %add3A_59, %lt3A : i32
      %convert_element_type3A_62 = arith.extui %lt3A_61 : i1 to i32
      %cond3A_63 = arith.constant 0 : i32
      %cond3A_64 = arith.cmpi ne, %convert_element_type3A_62, %cond3A_63 : i32
      scf.if %cond3A_64 {
        %ge3A = arith.constant 2 : i32
        %ge3A_91 = arith.cmpi sge, %add3A_59, %ge3A : i32
        %convert_element_type3A_92 = arith.extui %ge3A_91 : i1 to i32
        %cond3A_93 = arith.constant 0 : i32
        %cond3A_94 = arith.cmpi ne, %convert_element_type3A_92, %cond3A_93 : i32
        scf.if %cond3A_94 {
          %sub3A = arith.constant 2 : i32
          %sub3A_107 = arith.subi %add3A_59, %sub3A : i32
          %dma_wait3A_108 = arith.constant 0 : i32
          %dma_wait3A_109 = arith.constant 0 : i32
          %dma_wait3A_110 = tpu.memref_slice %arg7[%rem3A_60, %dma_wait3A_108, %dma_wait3A_109] : memref<2x64x128xf32, #tpu.memory_space<vmem>> -> memref<1x64x128xf32, #tpu.memory_space<vmem>>
          %dma_wait3A_111 = tpu.memref_squeeze %dma_wait3A_110 : memref<1x64x128xf32, #tpu.memory_space<vmem>> -> memref<64x128xf32, #tpu.memory_space<vmem>>
          %dma_wait3A_112 = arith.constant 64 : i32
          %dma_wait3A_113 = tpu.memref_slice %arg6[%sub3A_107, %dma_wait3A_112] : memref<160x128xi32, #tpu.memory_space<vmem>> -> memref<1x64xi32, #tpu.memory_space<vmem>>
          %dma_wait3A_114 = tpu.memref_squeeze %dma_wait3A_113 : memref<1x64xi32, #tpu.memory_space<vmem>> -> memref<64xi32, #tpu.memory_space<vmem>>
          %dma_wait3A_115 = arith.constant 0 : i32
          %dma_wait3A_116 = arith.constant 0 : i32
          %dma_wait3A_117 = tpu.memref_slice %arg8[%dma_wait3A_115, %dma_wait3A_116] : memref<10112x128xf32, #tpu.memory_space<vmem_shared>> -> memref<10112x128xf32, #tpu.memory_space<vmem_shared>>
          %dma_wait3A_118 = tpu.memref_slice %arg10[%rem3A_60] : memref<2x!tpu.dma_semaphore, #tpu.memory_space<semaphore_mem>> -> memref<1x!tpu.dma_semaphore, #tpu.memory_space<semaphore_mem>>
          %dma_wait3A_119 = tpu.memref_squeeze %dma_wait3A_118 : memref<1x!tpu.dma_semaphore, #tpu.memory_space<semaphore_mem>> -> memref<!tpu.dma_semaphore, #tpu.memory_space<semaphore_mem>>
          tpu.wait_indirect_dma semaphore(%dma_wait3A_119 : memref<!tpu.dma_semaphore, #tpu.memory_space<semaphore_mem>>) src(%dma_wait3A_111 : memref<64x128xf32, #tpu.memory_space<vmem>>) dst(%dma_wait3A_117 : memref<10112x128xf32, #tpu.memory_space<vmem_shared>>)
        } else {
        }
        %dma_start3A_95 = arith.constant 0 : i32
        %dma_start3A_96 = arith.constant 0 : i32
        %dma_start3A_97 = tpu.memref_slice %arg7[%rem3A_60, %dma_start3A_95, %dma_start3A_96] : memref<2x64x128xf32, #tpu.memory_space<vmem>> -> memref<1x64x128xf32, #tpu.memory_space<vmem>>
        %dma_start3A_98 = tpu.memref_squeeze %dma_start3A_97 : memref<1x64x128xf32, #tpu.memory_space<vmem>> -> memref<64x128xf32, #tpu.memory_space<vmem>>
        %dma_start3A_99 = arith.constant 0 : i32
        %dma_start3A_100 = tpu.memref_slice %arg6[%add3A_59, %dma_start3A_99] : memref<160x128xi32, #tpu.memory_space<vmem>> -> memref<1x64xi32, #tpu.memory_space<vmem>>
        %dma_start3A_101 = tpu.memref_squeeze %dma_start3A_100 : memref<1x64xi32, #tpu.memory_space<vmem>> -> memref<64xi32, #tpu.memory_space<vmem>>
        %dma_start3A_102 = arith.constant 0 : i32
        %dma_start3A_103 = arith.constant 0 : i32
        %dma_start3A_104 = tpu.memref_slice %arg2[%dma_start3A_102, %dma_start3A_103] : memref<10240x128xf32, #tpu.memory_space<hbm>> -> memref<10240x128xf32, #tpu.memory_space<hbm>>
        %dma_start3A_105 = tpu.memref_slice %arg9[%rem3A_60] : memref<2x!tpu.dma_semaphore, #tpu.memory_space<semaphore_mem>> -> memref<1x!tpu.dma_semaphore, #tpu.memory_space<semaphore_mem>>
        %dma_start3A_106 = tpu.memref_squeeze %dma_start3A_105 : memref<1x!tpu.dma_semaphore, #tpu.memory_space<semaphore_mem>> -> memref<!tpu.dma_semaphore, #tpu.memory_space<semaphore_mem>>
        tpu.enqueue_indirect_dma source(%dma_start3A_104 : memref<10240x128xf32, #tpu.memory_space<hbm>>) target(%dma_start3A_98 : memref<64x128xf32, #tpu.memory_space<vmem>>) offsets(%dma_start3A_101 : memref<64xi32, #tpu.memory_space<vmem>>) semaphore(%dma_start3A_106 : memref<!tpu.dma_semaphore, #tpu.memory_space<semaphore_mem>>)
      } else {
      }
      %rem3A_65 = arith.constant 2 : i32
      %rem3A_66 = arith.remsi %scan3A_57, %rem3A_65 : i32
      %dma_wait3A_67 = arith.constant 0 : i32
      %dma_wait3A_68 = arith.constant 0 : i32
      %dma_wait3A_69 = tpu.memref_slice %arg7[%rem3A_66, %dma_wait3A_67, %dma_wait3A_68] : memref<2x64x128xf32, #tpu.memory_space<vmem>> -> memref<1x64x128xf32, #tpu.memory_space<vmem>>
      %dma_wait3A_70 = tpu.memref_squeeze %dma_wait3A_69 : memref<1x64x128xf32, #tpu.memory_space<vmem>> -> memref<64x128xf32, #tpu.memory_space<vmem>>
      %dma_wait3A_71 = arith.constant 0 : i32
      %dma_wait3A_72 = tpu.memref_slice %arg6[%scan3A_57, %dma_wait3A_71] : memref<160x128xi32, #tpu.memory_space<vmem>> -> memref<1x64xi32, #tpu.memory_space<vmem>>
      %dma_wait3A_73 = tpu.memref_squeeze %dma_wait3A_72 : memref<1x64xi32, #tpu.memory_space<vmem>> -> memref<64xi32, #tpu.memory_space<vmem>>
      %dma_wait3A_74 = arith.constant 0 : i32
      %dma_wait3A_75 = arith.constant 0 : i32
      %dma_wait3A_76 = tpu.memref_slice %arg2[%dma_wait3A_74, %dma_wait3A_75] : memref<10240x128xf32, #tpu.memory_space<hbm>> -> memref<10240x128xf32, #tpu.memory_space<hbm>>
      %dma_wait3A_77 = tpu.memref_slice %arg9[%rem3A_66] : memref<2x!tpu.dma_semaphore, #tpu.memory_space<semaphore_mem>> -> memref<1x!tpu.dma_semaphore, #tpu.memory_space<semaphore_mem>>
      %dma_wait3A_78 = tpu.memref_squeeze %dma_wait3A_77 : memref<1x!tpu.dma_semaphore, #tpu.memory_space<semaphore_mem>> -> memref<!tpu.dma_semaphore, #tpu.memory_space<semaphore_mem>>
      tpu.wait_indirect_dma semaphore(%dma_wait3A_78 : memref<!tpu.dma_semaphore, #tpu.memory_space<semaphore_mem>>) src(%dma_wait3A_76 : memref<10240x128xf32, #tpu.memory_space<hbm>>) dst(%dma_wait3A_70 : memref<64x128xf32, #tpu.memory_space<vmem>>)
      %dma_start3A_79 = arith.constant 0 : i32
      %dma_start3A_80 = arith.constant 0 : i32
      %dma_start3A_81 = tpu.memref_slice %arg7[%rem3A_66, %dma_start3A_79, %dma_start3A_80] : memref<2x64x128xf32, #tpu.memory_space<vmem>> -> memref<1x64x128xf32, #tpu.memory_space<vmem>>
      %dma_start3A_82 = tpu.memref_squeeze %dma_start3A_81 : memref<1x64x128xf32, #tpu.memory_space<vmem>> -> memref<64x128xf32, #tpu.memory_space<vmem>>
      %dma_start3A_83 = arith.constant 64 : i32
      %dma_start3A_84 = tpu.memref_slice %arg6[%scan3A_57, %dma_start3A_83] : memref<160x128xi32, #tpu.memory_space<vmem>> -> memref<1x64xi32, #tpu.memory_space<vmem>>
      %dma_start3A_85 = tpu.memref_squeeze %dma_start3A_84 : memref<1x64xi32, #tpu.memory_space<vmem>> -> memref<64xi32, #tpu.memory_space<vmem>>
      %dma_start3A_86 = arith.constant 0 : i32
      %dma_start3A_87 = arith.constant 0 : i32
      %dma_start3A_88 = tpu.memref_slice %arg8[%dma_start3A_86, %dma_start3A_87] : memref<10112x128xf32, #tpu.memory_space<vmem_shared>> -> memref<10112x128xf32, #tpu.memory_space<vmem_shared>>
      %dma_start3A_89 = tpu.memref_slice %arg10[%rem3A_66] : memref<2x!tpu.dma_semaphore, #tpu.memory_space<semaphore_mem>> -> memref<1x!tpu.dma_semaphore, #tpu.memory_space<semaphore_mem>>
      %dma_start3A_90 = tpu.memref_squeeze %dma_start3A_89 : memref<1x!tpu.dma_semaphore, #tpu.memory_space<semaphore_mem>> -> memref<!tpu.dma_semaphore, #tpu.memory_space<semaphore_mem>>
      tpu.enqueue_indirect_dma source(%dma_start3A_82 : memref<64x128xf32, #tpu.memory_space<vmem>>) target(%dma_start3A_88 : memref<10112x128xf32, #tpu.memory_space<vmem_shared>>) offsets(%dma_start3A_85 : memref<64xi32, #tpu.memory_space<vmem>>) semaphore(%dma_start3A_90 : memref<!tpu.dma_semaphore, #tpu.memory_space<semaphore_mem>>) {add = true}
    }
    %scan3A_26 = arith.constant 160 : i32
    %dma_wait3A = arith.constant 0 : i32
    %dma_wait3A_27 = arith.constant 158 : i32
    %dma_wait3A_28 = arith.constant 0 : i32
    %dma_wait3A_29 = arith.constant 0 : i32
    %dma_wait3A_30 = arith.constant 0 : i32
    %dma_wait3A_31 = tpu.memref_slice %arg7[%dma_wait3A, %dma_wait3A_29, %dma_wait3A_30] : memref<2x64x128xf32, #tpu.memory_space<vmem>> -> memref<1x64x128xf32, #tpu.memory_space<vmem>>
    %dma_wait3A_32 = tpu.memref_squeeze %dma_wait3A_31 : memref<1x64x128xf32, #tpu.memory_space<vmem>> -> memref<64x128xf32, #tpu.memory_space<vmem>>
    %dma_wait3A_33 = arith.constant 64 : i32
    %dma_wait3A_34 = tpu.memref_slice %arg6[%dma_wait3A_27, %dma_wait3A_33] : memref<160x128xi32, #tpu.memory_space<vmem>> -> memref<1x64xi32, #tpu.memory_space<vmem>>
    %dma_wait3A_35 = tpu.memref_squeeze %dma_wait3A_34 : memref<1x64xi32, #tpu.memory_space<vmem>> -> memref<64xi32, #tpu.memory_space<vmem>>
    %dma_wait3A_36 = arith.constant 0 : i32
    %dma_wait3A_37 = arith.constant 0 : i32
    %dma_wait3A_38 = tpu.memref_slice %arg8[%dma_wait3A_36, %dma_wait3A_37] : memref<10112x128xf32, #tpu.memory_space<vmem_shared>> -> memref<10112x128xf32, #tpu.memory_space<vmem_shared>>
    %dma_wait3A_39 = tpu.memref_slice %arg10[%dma_wait3A_28] : memref<2x!tpu.dma_semaphore, #tpu.memory_space<semaphore_mem>> -> memref<1x!tpu.dma_semaphore, #tpu.memory_space<semaphore_mem>>
    %dma_wait3A_40 = tpu.memref_squeeze %dma_wait3A_39 : memref<1x!tpu.dma_semaphore, #tpu.memory_space<semaphore_mem>> -> memref<!tpu.dma_semaphore, #tpu.memory_space<semaphore_mem>>
    tpu.wait_indirect_dma semaphore(%dma_wait3A_40 : memref<!tpu.dma_semaphore, #tpu.memory_space<semaphore_mem>>) src(%dma_wait3A_32 : memref<64x128xf32, #tpu.memory_space<vmem>>) dst(%dma_wait3A_38 : memref<10112x128xf32, #tpu.memory_space<vmem_shared>>)
    %dma_wait3A_41 = arith.constant 1 : i32
    %dma_wait3A_42 = arith.constant 159 : i32
    %dma_wait3A_43 = arith.constant 1 : i32
    %dma_wait3A_44 = arith.constant 0 : i32
    %dma_wait3A_45 = arith.constant 0 : i32
    %dma_wait3A_46 = tpu.memref_slice %arg7[%dma_wait3A_41, %dma_wait3A_44, %dma_wait3A_45] : memref<2x64x128xf32, #tpu.memory_space<vmem>> -> memref<1x64x128xf32, #tpu.memory_space<vmem>>
    %dma_wait3A_47 = tpu.memref_squeeze %dma_wait3A_46 : memref<1x64x128xf32, #tpu.memory_space<vmem>> -> memref<64x128xf32, #tpu.memory_space<vmem>>
    %dma_wait3A_48 = arith.constant 64 : i32
    %dma_wait3A_49 = tpu.memref_slice %arg6[%dma_wait3A_42, %dma_wait3A_48] : memref<160x128xi32, #tpu.memory_space<vmem>> -> memref<1x64xi32, #tpu.memory_space<vmem>>
    %dma_wait3A_50 = tpu.memref_squeeze %dma_wait3A_49 : memref<1x64xi32, #tpu.memory_space<vmem>> -> memref<64xi32, #tpu.memory_space<vmem>>
    %dma_wait3A_51 = arith.constant 0 : i32
    %dma_wait3A_52 = arith.constant 0 : i32
    %dma_wait3A_53 = tpu.memref_slice %arg8[%dma_wait3A_51, %dma_wait3A_52] : memref<10112x128xf32, #tpu.memory_space<vmem_shared>> -> memref<10112x128xf32, #tpu.memory_space<vmem_shared>>
    %dma_wait3A_54 = tpu.memref_slice %arg10[%dma_wait3A_43] : memref<2x!tpu.dma_semaphore, #tpu.memory_space<semaphore_mem>> -> memref<1x!tpu.dma_semaphore, #tpu.memory_space<semaphore_mem>>
    %dma_wait3A_55 = tpu.memref_squeeze %dma_wait3A_54 : memref<1x!tpu.dma_semaphore, #tpu.memory_space<semaphore_mem>> -> memref<!tpu.dma_semaphore, #tpu.memory_space<semaphore_mem>>
    tpu.wait_indirect_dma semaphore(%dma_wait3A_55 : memref<!tpu.dma_semaphore, #tpu.memory_space<semaphore_mem>>) src(%dma_wait3A_47 : memref<64x128xf32, #tpu.memory_space<vmem>>) dst(%dma_wait3A_53 : memref<10112x128xf32, #tpu.memory_space<vmem_shared>>)
    %barrier3A_56 = arith.constant 0 : index
    tpu.barrier barrier_id(%barrier3A_56)
    "tpu.region"() ({
      %run_scoped3A = tpu.sem_alloc : memref<!tpu.dma_semaphore, #tpu.memory_space<semaphore_mem>>
      %dma_start3A_57 = arith.constant 0 : i32
      %dma_start3A_58 = tpu.memref_slice %arg5[%arg0, %multiple_of3A, %dma_start3A_57] : memref<2x10240x128xf32, #tpu.memory_space<hbm>> -> memref<1x632x128xf32, #tpu.memory_space<hbm>>
      %dma_start3A_59 = tpu.memref_squeeze %dma_start3A_58 : memref<1x632x128xf32, #tpu.memory_space<hbm>> -> memref<632x128xf32, #tpu.memory_space<hbm>>
      %dma_start3A_60 = arith.constant 0 : i32
      %dma_start3A_61 = tpu.memref_slice %arg8[%multiple_of3A, %dma_start3A_60] : memref<10112x128xf32, #tpu.memory_space<vmem_shared>> -> memref<632x128xf32, #tpu.memory_space<vmem_shared>>
      tpu.enqueue_dma source(%dma_start3A_61 : memref<632x128xf32, #tpu.memory_space<vmem_shared>>) target(%dma_start3A_59 : memref<632x128xf32, #tpu.memory_space<hbm>>) target_semaphore(%run_scoped3A : memref<!tpu.dma_semaphore, #tpu.memory_space<semaphore_mem>>)
      %dma_wait3A_62 = arith.constant 0 : i32
      %dma_wait3A_63 = tpu.memref_slice %arg5[%arg0, %multiple_of3A, %dma_wait3A_62] : memref<2x10240x128xf32, #tpu.memory_space<hbm>> -> memref<1x632x128xf32, #tpu.memory_space<hbm>>
      %dma_wait3A_64 = tpu.memref_squeeze %dma_wait3A_63 : memref<1x632x128xf32, #tpu.memory_space<hbm>> -> memref<632x128xf32, #tpu.memory_space<hbm>>
      %dma_wait3A_65 = arith.constant 0 : i32
      %dma_wait3A_66 = tpu.memref_slice %arg8[%multiple_of3A, %dma_wait3A_65] : memref<10112x128xf32, #tpu.memory_space<vmem_shared>> -> memref<632x128xf32, #tpu.memory_space<vmem_shared>>
      tpu.wait_dma2 semaphore(%run_scoped3A : memref<!tpu.dma_semaphore, #tpu.memory_space<semaphore_mem>>) src(%dma_wait3A_66 : memref<632x128xf32, #tpu.memory_space<vmem_shared>>) dst(%dma_wait3A_64 : memref<632x128xf32, #tpu.memory_space<hbm>>)
      tpu.yield
    }) : () -> ()
    return
  }
}

#map = affine_map<(d0, d1) -> (0, 0)>
#map1 = affine_map<(d0, d1) -> (0, 0, 0)>
module attributes {stable_mosaic.version = 14 : i64} {
  func.func @body(%arg0: i32, %arg1: i32, %arg2: memref<5120x64xi32, #tpu.memory_space<hbm>>, %arg3: memref<640x16xf32, #tpu.memory_space<hbm>>, %arg4: memref<2x10240x16xf32, #tpu.memory_space<hbm>>, %arg5: memref<160x64xi32, #tpu.memory_space<vmem>>, %arg6: memref<64x16xf32, #tpu.memory_space<vmem>>, %arg7: memref<10240x16xf32, #tpu.memory_space<vmem_shared>>, %arg8: memref<!tpu.dma_semaphore, #tpu.memory_space<semaphore_mem>>) attributes {dimension_semantics = [#tpu.dimension_semantics<core_parallel>, #tpu.dimension_semantics<subcore_parallel>], iteration_bounds = array<i64: 2, 16>, scalar_prefetch = 0 : i64, scratch_operands = 4 : i64, tpu.core_type = #tpu.core_type<sc_vector_subcore>, window_params = [{transform_indices = #map}, {transform_indices = #map}, {transform_indices = #map1}]} {
    %mul3A = arith.constant 16 : i32
    %mul3A_0 = arith.muli %arg0, %mul3A : i32
    %add3A = arith.addi %mul3A_0, %arg1 : i32
    %mul3A_1 = arith.constant 640 : i32
    %mul3A_2 = arith.muli %arg1, %mul3A_1 : i32
    %multiple_of3A = tpu.assume_multiple %mul3A_2, 8 : i32
    %mul3A_3 = arith.constant 160 : i32
    %mul3A_4 = arith.muli %add3A, %mul3A_3 : i32
    %multiple_of3A_5 = tpu.assume_multiple %mul3A_4, 8 : i32
    "tpu.region"() ({
      %run_scoped3A = tpu.sem_alloc : memref<!tpu.dma_semaphore, #tpu.memory_space<semaphore_mem>>
      %dma_start3A = arith.constant 0 : i32
      %dma_start3A_22 = tpu.memref_slice %arg7[%multiple_of3A, %dma_start3A] : memref<10240x16xf32, #tpu.memory_space<vmem_shared>> -> memref<640x16xf32, #tpu.memory_space<vmem_shared>>
      tpu.enqueue_dma source(%arg3 : memref<640x16xf32, #tpu.memory_space<hbm>>) target(%dma_start3A_22 : memref<640x16xf32, #tpu.memory_space<vmem_shared>>) target_semaphore(%run_scoped3A : memref<!tpu.dma_semaphore, #tpu.memory_space<semaphore_mem>>)
      %dma_wait3A = arith.constant 0 : i32
      %dma_wait3A_23 = tpu.memref_slice %arg7[%multiple_of3A, %dma_wait3A] : memref<10240x16xf32, #tpu.memory_space<vmem_shared>> -> memref<640x16xf32, #tpu.memory_space<vmem_shared>>
      tpu.wait_dma2 semaphore(%run_scoped3A : memref<!tpu.dma_semaphore, #tpu.memory_space<semaphore_mem>>) src(%arg3 : memref<640x16xf32, #tpu.memory_space<hbm>>) dst(%dma_wait3A_23 : memref<640x16xf32, #tpu.memory_space<vmem_shared>>)
      tpu.yield
    }) : () -> ()
    "tpu.region"() ({
      %run_scoped3A = tpu.sem_alloc : memref<!tpu.dma_semaphore, #tpu.memory_space<semaphore_mem>>
      %dma_start3A = arith.constant 0 : i32
      %dma_start3A_22 = tpu.memref_slice %arg2[%multiple_of3A_5, %dma_start3A] : memref<5120x64xi32, #tpu.memory_space<hbm>> -> memref<160x64xi32, #tpu.memory_space<hbm>>
      %dma_start3A_23 = arith.constant 0 : i32
      %dma_start3A_24 = tpu.memref_slice %arg2[%multiple_of3A_5, %dma_start3A_23] : memref<5120x64xi32, #tpu.memory_space<hbm>> -> memref<160x64xi32, #tpu.memory_space<hbm>>
      tpu.enqueue_dma source(%dma_start3A_24 : memref<160x64xi32, #tpu.memory_space<hbm>>) target(%arg5 : memref<160x64xi32, #tpu.memory_space<vmem>>) target_semaphore(%run_scoped3A : memref<!tpu.dma_semaphore, #tpu.memory_space<semaphore_mem>>)
      %dma_wait3A = arith.constant 0 : i32
      %dma_wait3A_25 = tpu.memref_slice %arg2[%multiple_of3A_5, %dma_wait3A] : memref<5120x64xi32, #tpu.memory_space<hbm>> -> memref<160x64xi32, #tpu.memory_space<hbm>>
      %dma_wait3A_26 = arith.constant 0 : i32
      %dma_wait3A_27 = tpu.memref_slice %arg2[%multiple_of3A_5, %dma_wait3A_26] : memref<5120x64xi32, #tpu.memory_space<hbm>> -> memref<160x64xi32, #tpu.memory_space<hbm>>
      tpu.wait_dma2 semaphore(%run_scoped3A : memref<!tpu.dma_semaphore, #tpu.memory_space<semaphore_mem>>) src(%dma_wait3A_27 : memref<160x64xi32, #tpu.memory_space<hbm>>) dst(%arg5 : memref<160x64xi32, #tpu.memory_space<vmem>>)
      tpu.yield
    }) : () -> ()
    %iota3A = tpu.iota {dimensions = array<i32: 0>} : vector<16xi32>
    %eq3A = arith.constant 0 : i32
    %eq3A_6 = vector.broadcast %eq3A : i32 to vector<16xi32>
    %eq3A_7 = arith.cmpi eq, %iota3A, %eq3A_6 : vector<16xi32>
    %jit3A = arith.constant 1.000000e+00 : f32
    %jit3A_8 = arith.constant 0.000000e+00 : f32
    %broadcast_in_dim3A = vector.broadcast %jit3A : f32 to vector<16xf32>
    %broadcast_in_dim3A_9 = vector.broadcast %jit3A_8 : f32 to vector<16xf32>
    %select_n3A = arith.select %eq3A_7, %broadcast_in_dim3A, %broadcast_in_dim3A_9 : vector<16xi1>, vector<16xf32>
    %scan3A = arith.constant 0 : i32
    %scan3A_10 = arith.constant 0 : i32
    %scan3A_11 = arith.constant 64 : i32
    %scan3A_12 = arith.addi %scan3A_10, %scan3A_11 : i32
    %scan3A_13 = arith.constant 1 : i32
    scf.for %scan3A_22 = %scan3A_10 to %scan3A_12 step %scan3A_13  : i32 {
      %swap3A = arith.index_cast %scan3A_22 : i32 to index
      %swap3A_23 = arith.constant 0 : index
      %swap3A_24 = tpu.vector_load %arg6[%swap3A, %swap3A_23] {strides = array<i32>} : memref<64x16xf32, #tpu.memory_space<vmem>>, vector<1x16xf32>,
      %swap3A_25 = vector.shape_cast %swap3A_24 : vector<1x16xf32> to vector<16xf32>
      %swap3A_26 = vector.shape_cast %select_n3A : vector<16xf32> to vector<1x16xf32>
      tpu.vector_store %arg6[%swap3A, %swap3A_23], %swap3A_26 {strides = array<i32>} : memref<64x16xf32, #tpu.memory_space<vmem>>, vector<1x16xf32>,
    }
    %scan3A_14 = arith.constant 64 : i32
    %barrier3A = arith.constant 0 : index
    tpu.barrier barrier_id(%barrier3A)
    %scan3A_15 = arith.constant 0 : i32
    %scan3A_16 = arith.constant 0 : i32
    %scan3A_17 = arith.constant 160 : i32
    %scan3A_18 = arith.addi %scan3A_16, %scan3A_17 : i32
    %scan3A_19 = arith.constant 1 : i32
    scf.for %scan3A_22 = %scan3A_16 to %scan3A_18 step %scan3A_19  : i32 {
      "tpu.region"() ({
        %run_scoped3A = tpu.sem_alloc : memref<!tpu.dma_semaphore, #tpu.memory_space<semaphore_mem>>
        %dma_start3A = arith.constant 0 : i32
        %dma_start3A_23 = tpu.memref_slice %arg5[%scan3A_22, %dma_start3A] : memref<160x64xi32, #tpu.memory_space<vmem>> -> memref<1x64xi32, #tpu.memory_space<vmem>>
        %dma_start3A_24 = tpu.memref_squeeze %dma_start3A_23 : memref<1x64xi32, #tpu.memory_space<vmem>> -> memref<64xi32, #tpu.memory_space<vmem>>
        %dma_start3A_25 = arith.constant 0 : i32
        %dma_start3A_26 = arith.constant 0 : i32
        %dma_start3A_27 = tpu.memref_slice %arg7[%dma_start3A_25, %dma_start3A_26] : memref<10240x16xf32, #tpu.memory_space<vmem_shared>> -> memref<10240x16xf32, #tpu.memory_space<vmem_shared>>
        tpu.enqueue_indirect_dma source(%arg6 : memref<64x16xf32, #tpu.memory_space<vmem>>) target(%dma_start3A_27 : memref<10240x16xf32, #tpu.memory_space<vmem_shared>>) offsets(%dma_start3A_24 : memref<64xi32, #tpu.memory_space<vmem>>) semaphore(%run_scoped3A : memref<!tpu.dma_semaphore, #tpu.memory_space<semaphore_mem>>) {add = true}
        %dma_wait3A = arith.constant 0 : i32
        %dma_wait3A_28 = tpu.memref_slice %arg5[%scan3A_22, %dma_wait3A] : memref<160x64xi32, #tpu.memory_space<vmem>> -> memref<1x64xi32, #tpu.memory_space<vmem>>
        %dma_wait3A_29 = tpu.memref_squeeze %dma_wait3A_28 : memref<1x64xi32, #tpu.memory_space<vmem>> -> memref<64xi32, #tpu.memory_space<vmem>>
        %dma_wait3A_30 = arith.constant 0 : i32
        %dma_wait3A_31 = arith.constant 0 : i32
        %dma_wait3A_32 = tpu.memref_slice %arg7[%dma_wait3A_30, %dma_wait3A_31] : memref<10240x16xf32, #tpu.memory_space<vmem_shared>> -> memref<10240x16xf32, #tpu.memory_space<vmem_shared>>
        tpu.wait_indirect_dma semaphore(%run_scoped3A : memref<!tpu.dma_semaphore, #tpu.memory_space<semaphore_mem>>) src(%arg6 : memref<64x16xf32, #tpu.memory_space<vmem>>) dst(%dma_wait3A_32 : memref<10240x16xf32, #tpu.memory_space<vmem_shared>>)
        tpu.yield
      }) : () -> ()
    }
    %scan3A_20 = arith.constant 160 : i32
    %barrier3A_21 = arith.constant 0 : index
    tpu.barrier barrier_id(%barrier3A_21)
    "tpu.region"() ({
      %run_scoped3A = tpu.sem_alloc : memref<!tpu.dma_semaphore, #tpu.memory_space<semaphore_mem>>
      %dma_start3A = arith.constant 0 : i32
      %dma_start3A_22 = tpu.memref_slice %arg4[%arg0, %multiple_of3A, %dma_start3A] : memref<2x10240x16xf32, #tpu.memory_space<hbm>> -> memref<1x640x16xf32, #tpu.memory_space<hbm>>
      %dma_start3A_23 = tpu.memref_squeeze %dma_start3A_22 : memref<1x640x16xf32, #tpu.memory_space<hbm>> -> memref<640x16xf32, #tpu.memory_space<hbm>>
      %dma_start3A_24 = arith.constant 0 : i32
      %dma_start3A_25 = tpu.memref_slice %arg7[%multiple_of3A, %dma_start3A_24] : memref<10240x16xf32, #tpu.memory_space<vmem_shared>> -> memref<640x16xf32, #tpu.memory_space<vmem_shared>>
      tpu.enqueue_dma source(%dma_start3A_25 : memref<640x16xf32, #tpu.memory_space<vmem_shared>>) target(%dma_start3A_23 : memref<640x16xf32, #tpu.memory_space<hbm>>) target_semaphore(%run_scoped3A : memref<!tpu.dma_semaphore, #tpu.memory_space<semaphore_mem>>)
      %dma_wait3A = arith.constant 0 : i32
      %dma_wait3A_26 = tpu.memref_slice %arg4[%arg0, %multiple_of3A, %dma_wait3A] : memref<2x10240x16xf32, #tpu.memory_space<hbm>> -> memref<1x640x16xf32, #tpu.memory_space<hbm>>
      %dma_wait3A_27 = tpu.memref_squeeze %dma_wait3A_26 : memref<1x640x16xf32, #tpu.memory_space<hbm>> -> memref<640x16xf32, #tpu.memory_space<hbm>>
      %dma_wait3A_28 = arith.constant 0 : i32
      %dma_wait3A_29 = tpu.memref_slice %arg7[%multiple_of3A, %dma_wait3A_28] : memref<10240x16xf32, #tpu.memory_space<vmem_shared>> -> memref<640x16xf32, #tpu.memory_space<vmem_shared>>
      tpu.wait_dma2 semaphore(%run_scoped3A : memref<!tpu.dma_semaphore, #tpu.memory_space<semaphore_mem>>) src(%dma_wait3A_29 : memref<640x16xf32, #tpu.memory_space<vmem_shared>>) dst(%dma_wait3A_27 : memref<640x16xf32, #tpu.memory_space<hbm>>)
      tpu.yield
    }) : () -> ()
    return
  }
}

#map = affine_map<(d0, d1) -> (0, 0)>
#map1 = affine_map<(d0, d1) -> (0, 0, 0)>
module attributes {stable_mosaic.version = 14 : i64} {
  func.func @body(%arg0: i32, %arg1: i32, %arg2: memref<10240x128xf32, #tpu.memory_space<hbm>>, %arg3: memref<5120x128xi32, #tpu.memory_space<hbm>>, %arg4: memref<640x128xf32, #tpu.memory_space<hbm>>, %arg5: memref<2x10240x128xf32, #tpu.memory_space<hbm>>, %arg6: memref<160x128xi32, #tpu.memory_space<vmem>>, %arg7: memref<2x64x128xf32, #tpu.memory_space<vmem>>, %arg8: memref<10112x128xf32, #tpu.memory_space<vmem_shared>>, %arg9: memref<2x!tpu.dma_semaphore, #tpu.memory_space<semaphore_mem>>, %arg10: memref<2x!tpu.dma_semaphore, #tpu.memory_space<semaphore_mem>>) attributes {dimension_semantics = [#tpu.dimension_semantics<core_parallel>, #tpu.dimension_semantics<subcore_parallel>], iteration_bounds = array<i64: 2, 16>, scalar_prefetch = 0 : i64, scratch_operands = 5 : i64, tpu.core_type = #tpu.core_type<sc_vector_subcore>, window_params = [{transform_indices = #map}, {transform_indices = #map}, {transform_indices = #map}, {transform_indices = #map1}]} {
    %mul3A = arith.constant 16 : i32
    %mul3A_0 = arith.muli %arg0, %mul3A : i32
    %add3A = arith.addi %mul3A_0, %arg1 : i32
    %mul3A_1 = arith.constant 632 : i32
    %mul3A_2 = arith.muli %arg1, %mul3A_1 : i32
    %multiple_of3A = tpu.assume_multiple %mul3A_2, 8 : i32
    %mul3A_3 = arith.constant 160 : i32
    %mul3A_4 = arith.muli %add3A, %mul3A_3 : i32
    %multiple_of3A_5 = tpu.assume_multiple %mul3A_4, 8 : i32
    "tpu.region"() ({
      %run_scoped3A = tpu.sem_alloc : memref<!tpu.dma_semaphore, #tpu.memory_space<semaphore_mem>>
      %dma_start3A_57 = arith.constant 0 : i32
      %dma_start3A_58 = tpu.memref_slice %arg8[%multiple_of3A, %dma_start3A_57] : memref<10112x128xf32, #tpu.memory_space<vmem_shared>> -> memref<632x128xf32, #tpu.memory_space<vmem_shared>>
      %dma_start3A_59 = arith.constant 0 : i32
      %dma_start3A_60 = arith.constant 0 : i32
      %dma_start3A_61 = tpu.memref_slice %arg4[%dma_start3A_59, %dma_start3A_60] : memref<640x128xf32, #tpu.memory_space<hbm>> -> memref<632x128xf32, #tpu.memory_space<hbm>>
      tpu.enqueue_dma source(%dma_start3A_61 : memref<632x128xf32, #tpu.memory_space<hbm>>) target(%dma_start3A_58 : memref<632x128xf32, #tpu.memory_space<vmem_shared>>) target_semaphore(%run_scoped3A : memref<!tpu.dma_semaphore, #tpu.memory_space<semaphore_mem>>)
      %dma_wait3A_62 = arith.constant 0 : i32
      %dma_wait3A_63 = tpu.memref_slice %arg8[%multiple_of3A, %dma_wait3A_62] : memref<10112x128xf32, #tpu.memory_space<vmem_shared>> -> memref<632x128xf32, #tpu.memory_space<vmem_shared>>
      %dma_wait3A_64 = arith.constant 0 : i32
      %dma_wait3A_65 = arith.constant 0 : i32
      %dma_wait3A_66 = tpu.memref_slice %arg4[%dma_wait3A_64, %dma_wait3A_65] : memref<640x128xf32, #tpu.memory_space<hbm>> -> memref<632x128xf32, #tpu.memory_space<hbm>>
      tpu.wait_dma2 semaphore(%run_scoped3A : memref<!tpu.dma_semaphore, #tpu.memory_space<semaphore_mem>>) src(%dma_wait3A_66 : memref<632x128xf32, #tpu.memory_space<hbm>>) dst(%dma_wait3A_63 : memref<632x128xf32, #tpu.memory_space<vmem_shared>>)
      tpu.yield
    }) : () -> ()
    "tpu.region"() ({
      %run_scoped3A = tpu.sem_alloc : memref<!tpu.dma_semaphore, #tpu.memory_space<semaphore_mem>>
      %dma_start3A_57 = arith.constant 0 : i32
      %dma_start3A_58 = tpu.memref_slice %arg3[%multiple_of3A_5, %dma_start3A_57] : memref<5120x128xi32, #tpu.memory_space<hbm>> -> memref<160x128xi32, #tpu.memory_space<hbm>>
      %dma_start3A_59 = arith.constant 0 : i32
      %dma_start3A_60 = tpu.memref_slice %arg3[%multiple_of3A_5, %dma_start3A_59] : memref<5120x128xi32, #tpu.memory_space<hbm>> -> memref<160x128xi32, #tpu.memory_space<hbm>>
      tpu.enqueue_dma source(%dma_start3A_60 : memref<160x128xi32, #tpu.memory_space<hbm>>) target(%arg6 : memref<160x128xi32, #tpu.memory_space<vmem>>) target_semaphore(%run_scoped3A : memref<!tpu.dma_semaphore, #tpu.memory_space<semaphore_mem>>)
      %dma_wait3A_61 = arith.constant 0 : i32
      %dma_wait3A_62 = tpu.memref_slice %arg3[%multiple_of3A_5, %dma_wait3A_61] : memref<5120x128xi32, #tpu.memory_space<hbm>> -> memref<160x128xi32, #tpu.memory_space<hbm>>
      %dma_wait3A_63 = arith.constant 0 : i32
      %dma_wait3A_64 = tpu.memref_slice %arg3[%multiple_of3A_5, %dma_wait3A_63] : memref<5120x128xi32, #tpu.memory_space<hbm>> -> memref<160x128xi32, #tpu.memory_space<hbm>>
      tpu.wait_dma2 semaphore(%run_scoped3A : memref<!tpu.dma_semaphore, #tpu.memory_space<semaphore_mem>>) src(%dma_wait3A_64 : memref<160x128xi32, #tpu.memory_space<hbm>>) dst(%arg6 : memref<160x128xi32, #tpu.memory_space<vmem>>)
      tpu.yield
    }) : () -> ()
    %eq3A = arith.constant 0 : i32
    %eq3A_6 = arith.cmpi eq, %arg1, %eq3A : i32
    %convert_element_type3A = arith.extui %eq3A_6 : i1 to i32
    %cond3A = arith.constant 0 : i32
    %cond3A_7 = arith.cmpi ne, %convert_element_type3A, %cond3A : i32
    scf.if %cond3A_7 {
      "tpu.region"() ({
        %run_scoped3A = tpu.sem_alloc : memref<!tpu.dma_semaphore, #tpu.memory_space<semaphore_mem>>
        %dma_start3A_57 = arith.constant 10112 : i32
        %dma_start3A_58 = arith.constant 0 : i32
        %dma_start3A_59 = tpu.memref_slice %arg5[%arg0, %dma_start3A_57, %dma_start3A_58] : memref<2x10240x128xf32, #tpu.memory_space<hbm>> -> memref<1x128x128xf32, #tpu.memory_space<hbm>>
        %dma_start3A_60 = tpu.memref_squeeze %dma_start3A_59 : memref<1x128x128xf32, #tpu.memory_space<hbm>> -> memref<128x128xf32, #tpu.memory_space<hbm>>
        %dma_start3A_61 = arith.constant 0 : i32
        %dma_start3A_62 = arith.constant 0 : i32
        %dma_start3A_63 = tpu.memref_slice %arg4[%dma_start3A_61, %dma_start3A_62] : memref<640x128xf32, #tpu.memory_space<hbm>> -> memref<128x128xf32, #tpu.memory_space<hbm>>
        tpu.enqueue_dma source(%dma_start3A_63 : memref<128x128xf32, #tpu.memory_space<hbm>>) target(%dma_start3A_60 : memref<128x128xf32, #tpu.memory_space<hbm>>) target_semaphore(%run_scoped3A : memref<!tpu.dma_semaphore, #tpu.memory_space<semaphore_mem>>)
        %dma_wait3A_64 = arith.constant 10112 : i32
        %dma_wait3A_65 = arith.constant 0 : i32
        %dma_wait3A_66 = tpu.memref_slice %arg5[%arg0, %dma_wait3A_64, %dma_wait3A_65] : memref<2x10240x128xf32, #tpu.memory_space<hbm>> -> memref<1x128x128xf32, #tpu.memory_space<hbm>>
        %dma_wait3A_67 = tpu.memref_squeeze %dma_wait3A_66 : memref<1x128x128xf32, #tpu.memory_space<hbm>> -> memref<128x128xf32, #tpu.memory_space<hbm>>
        %dma_wait3A_68 = arith.constant 0 : i32
        %dma_wait3A_69 = arith.constant 0 : i32
        %dma_wait3A_70 = tpu.memref_slice %arg4[%dma_wait3A_68, %dma_wait3A_69] : memref<640x128xf32, #tpu.memory_space<hbm>> -> memref<128x128xf32, #tpu.memory_space<hbm>>
        tpu.wait_dma2 semaphore(%run_scoped3A : memref<!tpu.dma_semaphore, #tpu.memory_space<semaphore_mem>>) src(%dma_wait3A_70 : memref<128x128xf32, #tpu.memory_space<hbm>>) dst(%dma_wait3A_67 : memref<128x128xf32, #tpu.memory_space<hbm>>)
        tpu.yield
      }) : () -> ()
    } else {
    }
    %barrier3A = arith.constant 0 : index
    tpu.barrier barrier_id(%barrier3A)
    %dma_start3A = arith.constant 0 : i32
    %dma_start3A_8 = arith.constant 0 : i32
    %dma_start3A_9 = arith.constant 0 : i32
    %dma_start3A_10 = arith.constant 0 : i32
    %dma_start3A_11 = arith.constant 0 : i32
    %dma_start3A_12 = tpu.memref_slice %arg7[%dma_start3A_8, %dma_start3A_10, %dma_start3A_11] : memref<2x64x128xf32, #tpu.memory_space<vmem>> -> memref<1x64x128xf32, #tpu.memory_space<vmem>>
    %dma_start3A_13 = tpu.memref_squeeze %dma_start3A_12 : memref<1x64x128xf32, #tpu.memory_space<vmem>> -> memref<64x128xf32, #tpu.memory_space<vmem>>
    %dma_start3A_14 = arith.constant 0 : i32
    %dma_start3A_15 = tpu.memref_slice %arg6[%dma_start3A, %dma_start3A_14] : memref<160x128xi32, #tpu.memory_space<vmem>> -> memref<1x64xi32, #tpu.memory_space<vmem>>
    %dma_start3A_16 = tpu.memref_squeeze %dma_start3A_15 : memref<1x64xi32, #tpu.memory_space<vmem>> -> memref<64xi32, #tpu.memory_space<vmem>>
    %dma_start3A_17 = arith.constant 0 : i32
    %dma_start3A_18 = arith.constant 0 : i32
    %dma_start3A_19 = tpu.memref_slice %arg2[%dma_start3A_17, %dma_start3A_18] : memref<10240x128xf32, #tpu.memory_space<hbm>> -> memref<10240x128xf32, #tpu.memory_space<hbm>>
    %dma_start3A_20 = tpu.memref_slice %arg9[%dma_start3A_9] : memref<2x!tpu.dma_semaphore, #tpu.memory_space<semaphore_mem>> -> memref<1x!tpu.dma_semaphore, #tpu.memory_space<semaphore_mem>>
    %dma_start3A_21 = tpu.memref_squeeze %dma_start3A_20 : memref<1x!tpu.dma_semaphore, #tpu.memory_space<semaphore_mem>> -> memref<!tpu.dma_semaphore, #tpu.memory_space<semaphore_mem>>
    tpu.enqueue_indirect_dma source(%dma_start3A_19 : memref<10240x128xf32, #tpu.memory_space<hbm>>) target(%dma_start3A_13 : memref<64x128xf32, #tpu.memory_space<vmem>>) offsets(%dma_start3A_16 : memref<64xi32, #tpu.memory_space<vmem>>) semaphore(%dma_start3A_21 : memref<!tpu.dma_semaphore, #tpu.memory_space<semaphore_mem>>)
    %scan3A = arith.constant 0 : i32
    %scan3A_22 = arith.constant 0 : i32
    %scan3A_23 = arith.constant 160 : i32
    %scan3A_24 = arith.addi %scan3A_22, %scan3A_23 : i32
    %scan3A_25 = arith.constant 1 : i32
    scf.for %scan3A_57 = %scan3A_22 to %scan3A_24 step %scan3A_25  : i32 {
      %add3A_58 = arith.constant 1 : i32
      %add3A_59 = arith.addi %scan3A_57, %add3A_58 : i32
      %rem3A = arith.constant 2 : i32
      %rem3A_60 = arith.remsi %add3A_59, %rem3A : i32
      %lt3A = arith.constant 160 : i32
      %lt3A_61 = arith.cmpi slt, %add3A_59, %lt3A : i32
      %convert_element_type3A_62 = arith.extui %lt3A_61 : i1 to i32
      %cond3A_63 = arith.constant 0 : i32
      %cond3A_64 = arith.cmpi ne, %convert_element_type3A_62, %cond3A_63 : i32
      scf.if %cond3A_64 {
        %ge3A = arith.constant 2 : i32
        %ge3A_91 = arith.cmpi sge, %add3A_59, %ge3A : i32
        %convert_element_type3A_92 = arith.extui %ge3A_91 : i1 to i32
        %cond3A_93 = arith.constant 0 : i32
        %cond3A_94 = arith.cmpi ne, %convert_element_type3A_92, %cond3A_93 : i32
        scf.if %cond3A_94 {
          %sub3A = arith.constant 2 : i32
          %sub3A_107 = arith.subi %add3A_59, %sub3A : i32
          %dma_wait3A_108 = arith.constant 0 : i32
          %dma_wait3A_109 = arith.constant 0 : i32
          %dma_wait3A_110 = tpu.memref_slice %arg7[%rem3A_60, %dma_wait3A_108, %dma_wait3A_109] : memref<2x64x128xf32, #tpu.memory_space<vmem>> -> memref<1x64x128xf32, #tpu.memory_space<vmem>>
          %dma_wait3A_111 = tpu.memref_squeeze %dma_wait3A_110 : memref<1x64x128xf32, #tpu.memory_space<vmem>> -> memref<64x128xf32, #tpu.memory_space<vmem>>
          %dma_wait3A_112 = arith.constant 64 : i32
          %dma_wait3A_113 = tpu.memref_slice %arg6[%sub3A_107, %dma_wait3A_112] : memref<160x128xi32, #tpu.memory_space<vmem>> -> memref<1x64xi32, #tpu.memory_space<vmem>>
          %dma_wait3A_114 = tpu.memref_squeeze %dma_wait3A_113 : memref<1x64xi32, #tpu.memory_space<vmem>> -> memref<64xi32, #tpu.memory_space<vmem>>
          %dma_wait3A_115 = arith.constant 0 : i32
          %dma_wait3A_116 = arith.constant 0 : i32
          %dma_wait3A_117 = tpu.memref_slice %arg8[%dma_wait3A_115, %dma_wait3A_116] : memref<10112x128xf32, #tpu.memory_space<vmem_shared>> -> memref<10112x128xf32, #tpu.memory_space<vmem_shared>>
          %dma_wait3A_118 = tpu.memref_slice %arg10[%rem3A_60] : memref<2x!tpu.dma_semaphore, #tpu.memory_space<semaphore_mem>> -> memref<1x!tpu.dma_semaphore, #tpu.memory_space<semaphore_mem>>
          %dma_wait3A_119 = tpu.memref_squeeze %dma_wait3A_118 : memref<1x!tpu.dma_semaphore, #tpu.memory_space<semaphore_mem>> -> memref<!tpu.dma_semaphore, #tpu.memory_space<semaphore_mem>>
          tpu.wait_indirect_dma semaphore(%dma_wait3A_119 : memref<!tpu.dma_semaphore, #tpu.memory_space<semaphore_mem>>) src(%dma_wait3A_111 : memref<64x128xf32, #tpu.memory_space<vmem>>) dst(%dma_wait3A_117 : memref<10112x128xf32, #tpu.memory_space<vmem_shared>>)
        } else {
        }
        %dma_start3A_95 = arith.constant 0 : i32
        %dma_start3A_96 = arith.constant 0 : i32
        %dma_start3A_97 = tpu.memref_slice %arg7[%rem3A_60, %dma_start3A_95, %dma_start3A_96] : memref<2x64x128xf32, #tpu.memory_space<vmem>> -> memref<1x64x128xf32, #tpu.memory_space<vmem>>
        %dma_start3A_98 = tpu.memref_squeeze %dma_start3A_97 : memref<1x64x128xf32, #tpu.memory_space<vmem>> -> memref<64x128xf32, #tpu.memory_space<vmem>>
        %dma_start3A_99 = arith.constant 0 : i32
        %dma_start3A_100 = tpu.memref_slice %arg6[%add3A_59, %dma_start3A_99] : memref<160x128xi32, #tpu.memory_space<vmem>> -> memref<1x64xi32, #tpu.memory_space<vmem>>
        %dma_start3A_101 = tpu.memref_squeeze %dma_start3A_100 : memref<1x64xi32, #tpu.memory_space<vmem>> -> memref<64xi32, #tpu.memory_space<vmem>>
        %dma_start3A_102 = arith.constant 0 : i32
        %dma_start3A_103 = arith.constant 0 : i32
        %dma_start3A_104 = tpu.memref_slice %arg2[%dma_start3A_102, %dma_start3A_103] : memref<10240x128xf32, #tpu.memory_space<hbm>> -> memref<10240x128xf32, #tpu.memory_space<hbm>>
        %dma_start3A_105 = tpu.memref_slice %arg9[%rem3A_60] : memref<2x!tpu.dma_semaphore, #tpu.memory_space<semaphore_mem>> -> memref<1x!tpu.dma_semaphore, #tpu.memory_space<semaphore_mem>>
        %dma_start3A_106 = tpu.memref_squeeze %dma_start3A_105 : memref<1x!tpu.dma_semaphore, #tpu.memory_space<semaphore_mem>> -> memref<!tpu.dma_semaphore, #tpu.memory_space<semaphore_mem>>
        tpu.enqueue_indirect_dma source(%dma_start3A_104 : memref<10240x128xf32, #tpu.memory_space<hbm>>) target(%dma_start3A_98 : memref<64x128xf32, #tpu.memory_space<vmem>>) offsets(%dma_start3A_101 : memref<64xi32, #tpu.memory_space<vmem>>) semaphore(%dma_start3A_106 : memref<!tpu.dma_semaphore, #tpu.memory_space<semaphore_mem>>)
      } else {
      }
      %rem3A_65 = arith.constant 2 : i32
      %rem3A_66 = arith.remsi %scan3A_57, %rem3A_65 : i32
      %dma_wait3A_67 = arith.constant 0 : i32
      %dma_wait3A_68 = arith.constant 0 : i32
      %dma_wait3A_69 = tpu.memref_slice %arg7[%rem3A_66, %dma_wait3A_67, %dma_wait3A_68] : memref<2x64x128xf32, #tpu.memory_space<vmem>> -> memref<1x64x128xf32, #tpu.memory_space<vmem>>
      %dma_wait3A_70 = tpu.memref_squeeze %dma_wait3A_69 : memref<1x64x128xf32, #tpu.memory_space<vmem>> -> memref<64x128xf32, #tpu.memory_space<vmem>>
      %dma_wait3A_71 = arith.constant 0 : i32
      %dma_wait3A_72 = tpu.memref_slice %arg6[%scan3A_57, %dma_wait3A_71] : memref<160x128xi32, #tpu.memory_space<vmem>> -> memref<1x64xi32, #tpu.memory_space<vmem>>
      %dma_wait3A_73 = tpu.memref_squeeze %dma_wait3A_72 : memref<1x64xi32, #tpu.memory_space<vmem>> -> memref<64xi32, #tpu.memory_space<vmem>>
      %dma_wait3A_74 = arith.constant 0 : i32
      %dma_wait3A_75 = arith.constant 0 : i32
      %dma_wait3A_76 = tpu.memref_slice %arg2[%dma_wait3A_74, %dma_wait3A_75] : memref<10240x128xf32, #tpu.memory_space<hbm>> -> memref<10240x128xf32, #tpu.memory_space<hbm>>
      %dma_wait3A_77 = tpu.memref_slice %arg9[%rem3A_66] : memref<2x!tpu.dma_semaphore, #tpu.memory_space<semaphore_mem>> -> memref<1x!tpu.dma_semaphore, #tpu.memory_space<semaphore_mem>>
      %dma_wait3A_78 = tpu.memref_squeeze %dma_wait3A_77 : memref<1x!tpu.dma_semaphore, #tpu.memory_space<semaphore_mem>> -> memref<!tpu.dma_semaphore, #tpu.memory_space<semaphore_mem>>
      tpu.wait_indirect_dma semaphore(%dma_wait3A_78 : memref<!tpu.dma_semaphore, #tpu.memory_space<semaphore_mem>>) src(%dma_wait3A_76 : memref<10240x128xf32, #tpu.memory_space<hbm>>) dst(%dma_wait3A_70 : memref<64x128xf32, #tpu.memory_space<vmem>>)
      %dma_start3A_79 = arith.constant 0 : i32
      %dma_start3A_80 = arith.constant 0 : i32
      %dma_start3A_81 = tpu.memref_slice %arg7[%rem3A_66, %dma_start3A_79, %dma_start3A_80] : memref<2x64x128xf32, #tpu.memory_space<vmem>> -> memref<1x64x128xf32, #tpu.memory_space<vmem>>
      %dma_start3A_82 = tpu.memref_squeeze %dma_start3A_81 : memref<1x64x128xf32, #tpu.memory_space<vmem>> -> memref<64x128xf32, #tpu.memory_space<vmem>>
      %dma_start3A_83 = arith.constant 64 : i32
      %dma_start3A_84 = tpu.memref_slice %arg6[%scan3A_57, %dma_start3A_83] : memref<160x128xi32, #tpu.memory_space<vmem>> -> memref<1x64xi32, #tpu.memory_space<vmem>>
      %dma_start3A_85 = tpu.memref_squeeze %dma_start3A_84 : memref<1x64xi32, #tpu.memory_space<vmem>> -> memref<64xi32, #tpu.memory_space<vmem>>
      %dma_start3A_86 = arith.constant 0 : i32
      %dma_start3A_87 = arith.constant 0 : i32
      %dma_start3A_88 = tpu.memref_slice %arg8[%dma_start3A_86, %dma_start3A_87] : memref<10112x128xf32, #tpu.memory_space<vmem_shared>> -> memref<10112x128xf32, #tpu.memory_space<vmem_shared>>
      %dma_start3A_89 = tpu.memref_slice %arg10[%rem3A_66] : memref<2x!tpu.dma_semaphore, #tpu.memory_space<semaphore_mem>> -> memref<1x!tpu.dma_semaphore, #tpu.memory_space<semaphore_mem>>
      %dma_start3A_90 = tpu.memref_squeeze %dma_start3A_89 : memref<1x!tpu.dma_semaphore, #tpu.memory_space<semaphore_mem>> -> memref<!tpu.dma_semaphore, #tpu.memory_space<semaphore_mem>>
      tpu.enqueue_indirect_dma source(%dma_start3A_82 : memref<64x128xf32, #tpu.memory_space<vmem>>) target(%dma_start3A_88 : memref<10112x128xf32, #tpu.memory_space<vmem_shared>>) offsets(%dma_start3A_85 : memref<64xi32, #tpu.memory_space<vmem>>) semaphore(%dma_start3A_90 : memref<!tpu.dma_semaphore, #tpu.memory_space<semaphore_mem>>) {add = true}
    }
    %scan3A_26 = arith.constant 160 : i32
    %dma_wait3A = arith.constant 0 : i32
    %dma_wait3A_27 = arith.constant 158 : i32
    %dma_wait3A_28 = arith.constant 0 : i32
    %dma_wait3A_29 = arith.constant 0 : i32
    %dma_wait3A_30 = arith.constant 0 : i32
    %dma_wait3A_31 = tpu.memref_slice %arg7[%dma_wait3A, %dma_wait3A_29, %dma_wait3A_30] : memref<2x64x128xf32, #tpu.memory_space<vmem>> -> memref<1x64x128xf32, #tpu.memory_space<vmem>>
    %dma_wait3A_32 = tpu.memref_squeeze %dma_wait3A_31 : memref<1x64x128xf32, #tpu.memory_space<vmem>> -> memref<64x128xf32, #tpu.memory_space<vmem>>
    %dma_wait3A_33 = arith.constant 64 : i32
    %dma_wait3A_34 = tpu.memref_slice %arg6[%dma_wait3A_27, %dma_wait3A_33] : memref<160x128xi32, #tpu.memory_space<vmem>> -> memref<1x64xi32, #tpu.memory_space<vmem>>
    %dma_wait3A_35 = tpu.memref_squeeze %dma_wait3A_34 : memref<1x64xi32, #tpu.memory_space<vmem>> -> memref<64xi32, #tpu.memory_space<vmem>>
    %dma_wait3A_36 = arith.constant 0 : i32
    %dma_wait3A_37 = arith.constant 0 : i32
    %dma_wait3A_38 = tpu.memref_slice %arg8[%dma_wait3A_36, %dma_wait3A_37] : memref<10112x128xf32, #tpu.memory_space<vmem_shared>> -> memref<10112x128xf32, #tpu.memory_space<vmem_shared>>
    %dma_wait3A_39 = tpu.memref_slice %arg10[%dma_wait3A_28] : memref<2x!tpu.dma_semaphore, #tpu.memory_space<semaphore_mem>> -> memref<1x!tpu.dma_semaphore, #tpu.memory_space<semaphore_mem>>
    %dma_wait3A_40 = tpu.memref_squeeze %dma_wait3A_39 : memref<1x!tpu.dma_semaphore, #tpu.memory_space<semaphore_mem>> -> memref<!tpu.dma_semaphore, #tpu.memory_space<semaphore_mem>>
    tpu.wait_indirect_dma semaphore(%dma_wait3A_40 : memref<!tpu.dma_semaphore, #tpu.memory_space<semaphore_mem>>) src(%dma_wait3A_32 : memref<64x128xf32, #tpu.memory_space<vmem>>) dst(%dma_wait3A_38 : memref<10112x128xf32, #tpu.memory_space<vmem_shared>>)
    %dma_wait3A_41 = arith.constant 1 : i32
    %dma_wait3A_42 = arith.constant 159 : i32
    %dma_wait3A_43 = arith.constant 1 : i32
    %dma_wait3A_44 = arith.constant 0 : i32
    %dma_wait3A_45 = arith.constant 0 : i32
    %dma_wait3A_46 = tpu.memref_slice %arg7[%dma_wait3A_41, %dma_wait3A_44, %dma_wait3A_45] : memref<2x64x128xf32, #tpu.memory_space<vmem>> -> memref<1x64x128xf32, #tpu.memory_space<vmem>>
    %dma_wait3A_47 = tpu.memref_squeeze %dma_wait3A_46 : memref<1x64x128xf32, #tpu.memory_space<vmem>> -> memref<64x128xf32, #tpu.memory_space<vmem>>
    %dma_wait3A_48 = arith.constant 64 : i32
    %dma_wait3A_49 = tpu.memref_slice %arg6[%dma_wait3A_42, %dma_wait3A_48] : memref<160x128xi32, #tpu.memory_space<vmem>> -> memref<1x64xi32, #tpu.memory_space<vmem>>
    %dma_wait3A_50 = tpu.memref_squeeze %dma_wait3A_49 : memref<1x64xi32, #tpu.memory_space<vmem>> -> memref<64xi32, #tpu.memory_space<vmem>>
    %dma_wait3A_51 = arith.constant 0 : i32
    %dma_wait3A_52 = arith.constant 0 : i32
    %dma_wait3A_53 = tpu.memref_slice %arg8[%dma_wait3A_51, %dma_wait3A_52] : memref<10112x128xf32, #tpu.memory_space<vmem_shared>> -> memref<10112x128xf32, #tpu.memory_space<vmem_shared>>
    %dma_wait3A_54 = tpu.memref_slice %arg10[%dma_wait3A_43] : memref<2x!tpu.dma_semaphore, #tpu.memory_space<semaphore_mem>> -> memref<1x!tpu.dma_semaphore, #tpu.memory_space<semaphore_mem>>
    %dma_wait3A_55 = tpu.memref_squeeze %dma_wait3A_54 : memref<1x!tpu.dma_semaphore, #tpu.memory_space<semaphore_mem>> -> memref<!tpu.dma_semaphore, #tpu.memory_space<semaphore_mem>>
    tpu.wait_indirect_dma semaphore(%dma_wait3A_55 : memref<!tpu.dma_semaphore, #tpu.memory_space<semaphore_mem>>) src(%dma_wait3A_47 : memref<64x128xf32, #tpu.memory_space<vmem>>) dst(%dma_wait3A_53 : memref<10112x128xf32, #tpu.memory_space<vmem_shared>>)
    %barrier3A_56 = arith.constant 0 : index
    tpu.barrier barrier_id(%barrier3A_56)
    "tpu.region"() ({
      %run_scoped3A = tpu.sem_alloc : memref<!tpu.dma_semaphore, #tpu.memory_space<semaphore_mem>>
      %dma_start3A_57 = arith.constant 0 : i32
      %dma_start3A_58 = tpu.memref_slice %arg5[%arg0, %multiple_of3A, %dma_start3A_57] : memref<2x10240x128xf32, #tpu.memory_space<hbm>> -> memref<1x632x128xf32, #tpu.memory_space<hbm>>
      %dma_start3A_59 = tpu.memref_squeeze %dma_start3A_58 : memref<1x632x128xf32, #tpu.memory_space<hbm>> -> memref<632x128xf32, #tpu.memory_space<hbm>>
      %dma_start3A_60 = arith.constant 0 : i32
      %dma_start3A_61 = tpu.memref_slice %arg8[%multiple_of3A, %dma_start3A_60] : memref<10112x128xf32, #tpu.memory_space<vmem_shared>> -> memref<632x128xf32, #tpu.memory_space<vmem_shared>>
      tpu.enqueue_dma source(%dma_start3A_61 : memref<632x128xf32, #tpu.memory_space<vmem_shared>>) target(%dma_start3A_59 : memref<632x128xf32, #tpu.memory_space<hbm>>) target_semaphore(%run_scoped3A : memref<!tpu.dma_semaphore, #tpu.memory_space<semaphore_mem>>)
      %dma_wait3A_62 = arith.constant 0 : i32
      %dma_wait3A_63 = tpu.memref_slice %arg5[%arg0, %multiple_of3A, %dma_wait3A_62] : memref<2x10240x128xf32, #tpu.memory_space<hbm>> -> memref<1x632x128xf32, #tpu.memory_space<hbm>>
      %dma_wait3A_64 = tpu.memref_squeeze %dma_wait3A_63 : memref<1x632x128xf32, #tpu.memory_space<hbm>> -> memref<632x128xf32, #tpu.memory_space<hbm>>
      %dma_wait3A_65 = arith.constant 0 : i32
      %dma_wait3A_66 = tpu.memref_slice %arg8[%multiple_of3A, %dma_wait3A_65] : memref<10112x128xf32, #tpu.memory_space<vmem_shared>> -> memref<632x128xf32, #tpu.memory_space<vmem_shared>>
      tpu.wait_dma2 semaphore(%run_scoped3A : memref<!tpu.dma_semaphore, #tpu.memory_space<semaphore_mem>>) src(%dma_wait3A_66 : memref<632x128xf32, #tpu.memory_space<vmem_shared>>) dst(%dma_wait3A_64 : memref<632x128xf32, #tpu.memory_space<hbm>>)
      tpu.yield
    }) : () -> ()
    return
  }
}

#map = affine_map<(d0, d1) -> (0, 0)>
#map1 = affine_map<(d0, d1) -> (0, 0, 0)>
module attributes {stable_mosaic.version = 14 : i64} {
  func.func @body(%arg0: i32, %arg1: i32, %arg2: memref<10240x128xf32, #tpu.memory_space<hbm>>, %arg3: memref<5120x128xi32, #tpu.memory_space<hbm>>, %arg4: memref<640x128xf32, #tpu.memory_space<hbm>>, %arg5: memref<2x10240x128xf32, #tpu.memory_space<hbm>>, %arg6: memref<160x128xi32, #tpu.memory_space<vmem>>, %arg7: memref<2x64x128xf32, #tpu.memory_space<vmem>>, %arg8: memref<10112x128xf32, #tpu.memory_space<vmem_shared>>, %arg9: memref<2x!tpu.dma_semaphore, #tpu.memory_space<semaphore_mem>>, %arg10: memref<2x!tpu.dma_semaphore, #tpu.memory_space<semaphore_mem>>) attributes {dimension_semantics = [#tpu.dimension_semantics<core_parallel>, #tpu.dimension_semantics<subcore_parallel>], iteration_bounds = array<i64: 2, 16>, scalar_prefetch = 0 : i64, scratch_operands = 5 : i64, tpu.core_type = #tpu.core_type<sc_vector_subcore>, window_params = [{transform_indices = #map}, {transform_indices = #map}, {transform_indices = #map}, {transform_indices = #map1}]} {
    %mul3A = arith.constant 16 : i32
    %mul3A_0 = arith.muli %arg0, %mul3A : i32
    %add3A = arith.addi %mul3A_0, %arg1 : i32
    %mul3A_1 = arith.constant 632 : i32
    %mul3A_2 = arith.muli %arg1, %mul3A_1 : i32
    %multiple_of3A = tpu.assume_multiple %mul3A_2, 8 : i32
    %mul3A_3 = arith.constant 160 : i32
    %mul3A_4 = arith.muli %add3A, %mul3A_3 : i32
    %multiple_of3A_5 = tpu.assume_multiple %mul3A_4, 8 : i32
    "tpu.region"() ({
      %run_scoped3A = tpu.sem_alloc : memref<!tpu.dma_semaphore, #tpu.memory_space<semaphore_mem>>
      %dma_start3A_57 = arith.constant 0 : i32
      %dma_start3A_58 = tpu.memref_slice %arg8[%multiple_of3A, %dma_start3A_57] : memref<10112x128xf32, #tpu.memory_space<vmem_shared>> -> memref<632x128xf32, #tpu.memory_space<vmem_shared>>
      %dma_start3A_59 = arith.constant 0 : i32
      %dma_start3A_60 = arith.constant 0 : i32
      %dma_start3A_61 = tpu.memref_slice %arg4[%dma_start3A_59, %dma_start3A_60] : memref<640x128xf32, #tpu.memory_space<hbm>> -> memref<632x128xf32, #tpu.memory_space<hbm>>
      tpu.enqueue_dma source(%dma_start3A_61 : memref<632x128xf32, #tpu.memory_space<hbm>>) target(%dma_start3A_58 : memref<632x128xf32, #tpu.memory_space<vmem_shared>>) target_semaphore(%run_scoped3A : memref<!tpu.dma_semaphore, #tpu.memory_space<semaphore_mem>>)
      %dma_wait3A_62 = arith.constant 0 : i32
      %dma_wait3A_63 = tpu.memref_slice %arg8[%multiple_of3A, %dma_wait3A_62] : memref<10112x128xf32, #tpu.memory_space<vmem_shared>> -> memref<632x128xf32, #tpu.memory_space<vmem_shared>>
      %dma_wait3A_64 = arith.constant 0 : i32
      %dma_wait3A_65 = arith.constant 0 : i32
      %dma_wait3A_66 = tpu.memref_slice %arg4[%dma_wait3A_64, %dma_wait3A_65] : memref<640x128xf32, #tpu.memory_space<hbm>> -> memref<632x128xf32, #tpu.memory_space<hbm>>
      tpu.wait_dma2 semaphore(%run_scoped3A : memref<!tpu.dma_semaphore, #tpu.memory_space<semaphore_mem>>) src(%dma_wait3A_66 : memref<632x128xf32, #tpu.memory_space<hbm>>) dst(%dma_wait3A_63 : memref<632x128xf32, #tpu.memory_space<vmem_shared>>)
      tpu.yield
    }) : () -> ()
    "tpu.region"() ({
      %run_scoped3A = tpu.sem_alloc : memref<!tpu.dma_semaphore, #tpu.memory_space<semaphore_mem>>
      %dma_start3A_57 = arith.constant 0 : i32
      %dma_start3A_58 = tpu.memref_slice %arg3[%multiple_of3A_5, %dma_start3A_57] : memref<5120x128xi32, #tpu.memory_space<hbm>> -> memref<160x128xi32, #tpu.memory_space<hbm>>
      %dma_start3A_59 = arith.constant 0 : i32
      %dma_start3A_60 = tpu.memref_slice %arg3[%multiple_of3A_5, %dma_start3A_59] : memref<5120x128xi32, #tpu.memory_space<hbm>> -> memref<160x128xi32, #tpu.memory_space<hbm>>
      tpu.enqueue_dma source(%dma_start3A_60 : memref<160x128xi32, #tpu.memory_space<hbm>>) target(%arg6 : memref<160x128xi32, #tpu.memory_space<vmem>>) target_semaphore(%run_scoped3A : memref<!tpu.dma_semaphore, #tpu.memory_space<semaphore_mem>>)
      %dma_wait3A_61 = arith.constant 0 : i32
      %dma_wait3A_62 = tpu.memref_slice %arg3[%multiple_of3A_5, %dma_wait3A_61] : memref<5120x128xi32, #tpu.memory_space<hbm>> -> memref<160x128xi32, #tpu.memory_space<hbm>>
      %dma_wait3A_63 = arith.constant 0 : i32
      %dma_wait3A_64 = tpu.memref_slice %arg3[%multiple_of3A_5, %dma_wait3A_63] : memref<5120x128xi32, #tpu.memory_space<hbm>> -> memref<160x128xi32, #tpu.memory_space<hbm>>
      tpu.wait_dma2 semaphore(%run_scoped3A : memref<!tpu.dma_semaphore, #tpu.memory_space<semaphore_mem>>) src(%dma_wait3A_64 : memref<160x128xi32, #tpu.memory_space<hbm>>) dst(%arg6 : memref<160x128xi32, #tpu.memory_space<vmem>>)
      tpu.yield
    }) : () -> ()
    %eq3A = arith.constant 0 : i32
    %eq3A_6 = arith.cmpi eq, %arg1, %eq3A : i32
    %convert_element_type3A = arith.extui %eq3A_6 : i1 to i32
    %cond3A = arith.constant 0 : i32
    %cond3A_7 = arith.cmpi ne, %convert_element_type3A, %cond3A : i32
    scf.if %cond3A_7 {
      "tpu.region"() ({
        %run_scoped3A = tpu.sem_alloc : memref<!tpu.dma_semaphore, #tpu.memory_space<semaphore_mem>>
        %dma_start3A_57 = arith.constant 10112 : i32
        %dma_start3A_58 = arith.constant 0 : i32
        %dma_start3A_59 = tpu.memref_slice %arg5[%arg0, %dma_start3A_57, %dma_start3A_58] : memref<2x10240x128xf32, #tpu.memory_space<hbm>> -> memref<1x128x128xf32, #tpu.memory_space<hbm>>
        %dma_start3A_60 = tpu.memref_squeeze %dma_start3A_59 : memref<1x128x128xf32, #tpu.memory_space<hbm>> -> memref<128x128xf32, #tpu.memory_space<hbm>>
        %dma_start3A_61 = arith.constant 0 : i32
        %dma_start3A_62 = arith.constant 0 : i32
        %dma_start3A_63 = tpu.memref_slice %arg4[%dma_start3A_61, %dma_start3A_62] : memref<640x128xf32, #tpu.memory_space<hbm>> -> memref<128x128xf32, #tpu.memory_space<hbm>>
        tpu.enqueue_dma source(%dma_start3A_63 : memref<128x128xf32, #tpu.memory_space<hbm>>) target(%dma_start3A_60 : memref<128x128xf32, #tpu.memory_space<hbm>>) target_semaphore(%run_scoped3A : memref<!tpu.dma_semaphore, #tpu.memory_space<semaphore_mem>>)
        %dma_wait3A_64 = arith.constant 10112 : i32
        %dma_wait3A_65 = arith.constant 0 : i32
        %dma_wait3A_66 = tpu.memref_slice %arg5[%arg0, %dma_wait3A_64, %dma_wait3A_65] : memref<2x10240x128xf32, #tpu.memory_space<hbm>> -> memref<1x128x128xf32, #tpu.memory_space<hbm>>
        %dma_wait3A_67 = tpu.memref_squeeze %dma_wait3A_66 : memref<1x128x128xf32, #tpu.memory_space<hbm>> -> memref<128x128xf32, #tpu.memory_space<hbm>>
        %dma_wait3A_68 = arith.constant 0 : i32
        %dma_wait3A_69 = arith.constant 0 : i32
        %dma_wait3A_70 = tpu.memref_slice %arg4[%dma_wait3A_68, %dma_wait3A_69] : memref<640x128xf32, #tpu.memory_space<hbm>> -> memref<128x128xf32, #tpu.memory_space<hbm>>
        tpu.wait_dma2 semaphore(%run_scoped3A : memref<!tpu.dma_semaphore, #tpu.memory_space<semaphore_mem>>) src(%dma_wait3A_70 : memref<128x128xf32, #tpu.memory_space<hbm>>) dst(%dma_wait3A_67 : memref<128x128xf32, #tpu.memory_space<hbm>>)
        tpu.yield
      }) : () -> ()
    } else {
    }
    %barrier3A = arith.constant 0 : index
    tpu.barrier barrier_id(%barrier3A)
    %dma_start3A = arith.constant 0 : i32
    %dma_start3A_8 = arith.constant 0 : i32
    %dma_start3A_9 = arith.constant 0 : i32
    %dma_start3A_10 = arith.constant 0 : i32
    %dma_start3A_11 = arith.constant 0 : i32
    %dma_start3A_12 = tpu.memref_slice %arg7[%dma_start3A_8, %dma_start3A_10, %dma_start3A_11] : memref<2x64x128xf32, #tpu.memory_space<vmem>> -> memref<1x64x128xf32, #tpu.memory_space<vmem>>
    %dma_start3A_13 = tpu.memref_squeeze %dma_start3A_12 : memref<1x64x128xf32, #tpu.memory_space<vmem>> -> memref<64x128xf32, #tpu.memory_space<vmem>>
    %dma_start3A_14 = arith.constant 0 : i32
    %dma_start3A_15 = tpu.memref_slice %arg6[%dma_start3A, %dma_start3A_14] : memref<160x128xi32, #tpu.memory_space<vmem>> -> memref<1x64xi32, #tpu.memory_space<vmem>>
    %dma_start3A_16 = tpu.memref_squeeze %dma_start3A_15 : memref<1x64xi32, #tpu.memory_space<vmem>> -> memref<64xi32, #tpu.memory_space<vmem>>
    %dma_start3A_17 = arith.constant 0 : i32
    %dma_start3A_18 = arith.constant 0 : i32
    %dma_start3A_19 = tpu.memref_slice %arg2[%dma_start3A_17, %dma_start3A_18] : memref<10240x128xf32, #tpu.memory_space<hbm>> -> memref<10240x128xf32, #tpu.memory_space<hbm>>
    %dma_start3A_20 = tpu.memref_slice %arg9[%dma_start3A_9] : memref<2x!tpu.dma_semaphore, #tpu.memory_space<semaphore_mem>> -> memref<1x!tpu.dma_semaphore, #tpu.memory_space<semaphore_mem>>
    %dma_start3A_21 = tpu.memref_squeeze %dma_start3A_20 : memref<1x!tpu.dma_semaphore, #tpu.memory_space<semaphore_mem>> -> memref<!tpu.dma_semaphore, #tpu.memory_space<semaphore_mem>>
    tpu.enqueue_indirect_dma source(%dma_start3A_19 : memref<10240x128xf32, #tpu.memory_space<hbm>>) target(%dma_start3A_13 : memref<64x128xf32, #tpu.memory_space<vmem>>) offsets(%dma_start3A_16 : memref<64xi32, #tpu.memory_space<vmem>>) semaphore(%dma_start3A_21 : memref<!tpu.dma_semaphore, #tpu.memory_space<semaphore_mem>>)
    %scan3A = arith.constant 0 : i32
    %scan3A_22 = arith.constant 0 : i32
    %scan3A_23 = arith.constant 160 : i32
    %scan3A_24 = arith.addi %scan3A_22, %scan3A_23 : i32
    %scan3A_25 = arith.constant 1 : i32
    scf.for %scan3A_57 = %scan3A_22 to %scan3A_24 step %scan3A_25  : i32 {
      %add3A_58 = arith.constant 1 : i32
      %add3A_59 = arith.addi %scan3A_57, %add3A_58 : i32
      %rem3A = arith.constant 2 : i32
      %rem3A_60 = arith.remsi %add3A_59, %rem3A : i32
      %lt3A = arith.constant 160 : i32
      %lt3A_61 = arith.cmpi slt, %add3A_59, %lt3A : i32
      %convert_element_type3A_62 = arith.extui %lt3A_61 : i1 to i32
      %cond3A_63 = arith.constant 0 : i32
      %cond3A_64 = arith.cmpi ne, %convert_element_type3A_62, %cond3A_63 : i32
      scf.if %cond3A_64 {
        %ge3A = arith.constant 2 : i32
        %ge3A_91 = arith.cmpi sge, %add3A_59, %ge3A : i32
        %convert_element_type3A_92 = arith.extui %ge3A_91 : i1 to i32
        %cond3A_93 = arith.constant 0 : i32
        %cond3A_94 = arith.cmpi ne, %convert_element_type3A_92, %cond3A_93 : i32
        scf.if %cond3A_94 {
          %sub3A = arith.constant 2 : i32
          %sub3A_107 = arith.subi %add3A_59, %sub3A : i32
          %dma_wait3A_108 = arith.constant 0 : i32
          %dma_wait3A_109 = arith.constant 0 : i32
          %dma_wait3A_110 = tpu.memref_slice %arg7[%rem3A_60, %dma_wait3A_108, %dma_wait3A_109] : memref<2x64x128xf32, #tpu.memory_space<vmem>> -> memref<1x64x128xf32, #tpu.memory_space<vmem>>
          %dma_wait3A_111 = tpu.memref_squeeze %dma_wait3A_110 : memref<1x64x128xf32, #tpu.memory_space<vmem>> -> memref<64x128xf32, #tpu.memory_space<vmem>>
          %dma_wait3A_112 = arith.constant 64 : i32
          %dma_wait3A_113 = tpu.memref_slice %arg6[%sub3A_107, %dma_wait3A_112] : memref<160x128xi32, #tpu.memory_space<vmem>> -> memref<1x64xi32, #tpu.memory_space<vmem>>
          %dma_wait3A_114 = tpu.memref_squeeze %dma_wait3A_113 : memref<1x64xi32, #tpu.memory_space<vmem>> -> memref<64xi32, #tpu.memory_space<vmem>>
          %dma_wait3A_115 = arith.constant 0 : i32
          %dma_wait3A_116 = arith.constant 0 : i32
          %dma_wait3A_117 = tpu.memref_slice %arg8[%dma_wait3A_115, %dma_wait3A_116] : memref<10112x128xf32, #tpu.memory_space<vmem_shared>> -> memref<10112x128xf32, #tpu.memory_space<vmem_shared>>
          %dma_wait3A_118 = tpu.memref_slice %arg10[%rem3A_60] : memref<2x!tpu.dma_semaphore, #tpu.memory_space<semaphore_mem>> -> memref<1x!tpu.dma_semaphore, #tpu.memory_space<semaphore_mem>>
          %dma_wait3A_119 = tpu.memref_squeeze %dma_wait3A_118 : memref<1x!tpu.dma_semaphore, #tpu.memory_space<semaphore_mem>> -> memref<!tpu.dma_semaphore, #tpu.memory_space<semaphore_mem>>
          tpu.wait_indirect_dma semaphore(%dma_wait3A_119 : memref<!tpu.dma_semaphore, #tpu.memory_space<semaphore_mem>>) src(%dma_wait3A_111 : memref<64x128xf32, #tpu.memory_space<vmem>>) dst(%dma_wait3A_117 : memref<10112x128xf32, #tpu.memory_space<vmem_shared>>)
        } else {
        }
        %dma_start3A_95 = arith.constant 0 : i32
        %dma_start3A_96 = arith.constant 0 : i32
        %dma_start3A_97 = tpu.memref_slice %arg7[%rem3A_60, %dma_start3A_95, %dma_start3A_96] : memref<2x64x128xf32, #tpu.memory_space<vmem>> -> memref<1x64x128xf32, #tpu.memory_space<vmem>>
        %dma_start3A_98 = tpu.memref_squeeze %dma_start3A_97 : memref<1x64x128xf32, #tpu.memory_space<vmem>> -> memref<64x128xf32, #tpu.memory_space<vmem>>
        %dma_start3A_99 = arith.constant 0 : i32
        %dma_start3A_100 = tpu.memref_slice %arg6[%add3A_59, %dma_start3A_99] : memref<160x128xi32, #tpu.memory_space<vmem>> -> memref<1x64xi32, #tpu.memory_space<vmem>>
        %dma_start3A_101 = tpu.memref_squeeze %dma_start3A_100 : memref<1x64xi32, #tpu.memory_space<vmem>> -> memref<64xi32, #tpu.memory_space<vmem>>
        %dma_start3A_102 = arith.constant 0 : i32
        %dma_start3A_103 = arith.constant 0 : i32
        %dma_start3A_104 = tpu.memref_slice %arg2[%dma_start3A_102, %dma_start3A_103] : memref<10240x128xf32, #tpu.memory_space<hbm>> -> memref<10240x128xf32, #tpu.memory_space<hbm>>
        %dma_start3A_105 = tpu.memref_slice %arg9[%rem3A_60] : memref<2x!tpu.dma_semaphore, #tpu.memory_space<semaphore_mem>> -> memref<1x!tpu.dma_semaphore, #tpu.memory_space<semaphore_mem>>
        %dma_start3A_106 = tpu.memref_squeeze %dma_start3A_105 : memref<1x!tpu.dma_semaphore, #tpu.memory_space<semaphore_mem>> -> memref<!tpu.dma_semaphore, #tpu.memory_space<semaphore_mem>>
        tpu.enqueue_indirect_dma source(%dma_start3A_104 : memref<10240x128xf32, #tpu.memory_space<hbm>>) target(%dma_start3A_98 : memref<64x128xf32, #tpu.memory_space<vmem>>) offsets(%dma_start3A_101 : memref<64xi32, #tpu.memory_space<vmem>>) semaphore(%dma_start3A_106 : memref<!tpu.dma_semaphore, #tpu.memory_space<semaphore_mem>>)
      } else {
      }
      %rem3A_65 = arith.constant 2 : i32
      %rem3A_66 = arith.remsi %scan3A_57, %rem3A_65 : i32
      %dma_wait3A_67 = arith.constant 0 : i32
      %dma_wait3A_68 = arith.constant 0 : i32
      %dma_wait3A_69 = tpu.memref_slice %arg7[%rem3A_66, %dma_wait3A_67, %dma_wait3A_68] : memref<2x64x128xf32, #tpu.memory_space<vmem>> -> memref<1x64x128xf32, #tpu.memory_space<vmem>>
      %dma_wait3A_70 = tpu.memref_squeeze %dma_wait3A_69 : memref<1x64x128xf32, #tpu.memory_space<vmem>> -> memref<64x128xf32, #tpu.memory_space<vmem>>
      %dma_wait3A_71 = arith.constant 0 : i32
      %dma_wait3A_72 = tpu.memref_slice %arg6[%scan3A_57, %dma_wait3A_71] : memref<160x128xi32, #tpu.memory_space<vmem>> -> memref<1x64xi32, #tpu.memory_space<vmem>>
      %dma_wait3A_73 = tpu.memref_squeeze %dma_wait3A_72 : memref<1x64xi32, #tpu.memory_space<vmem>> -> memref<64xi32, #tpu.memory_space<vmem>>
      %dma_wait3A_74 = arith.constant 0 : i32
      %dma_wait3A_75 = arith.constant 0 : i32
      %dma_wait3A_76 = tpu.memref_slice %arg2[%dma_wait3A_74, %dma_wait3A_75] : memref<10240x128xf32, #tpu.memory_space<hbm>> -> memref<10240x128xf32, #tpu.memory_space<hbm>>
      %dma_wait3A_77 = tpu.memref_slice %arg9[%rem3A_66] : memref<2x!tpu.dma_semaphore, #tpu.memory_space<semaphore_mem>> -> memref<1x!tpu.dma_semaphore, #tpu.memory_space<semaphore_mem>>
      %dma_wait3A_78 = tpu.memref_squeeze %dma_wait3A_77 : memref<1x!tpu.dma_semaphore, #tpu.memory_space<semaphore_mem>> -> memref<!tpu.dma_semaphore, #tpu.memory_space<semaphore_mem>>
      tpu.wait_indirect_dma semaphore(%dma_wait3A_78 : memref<!tpu.dma_semaphore, #tpu.memory_space<semaphore_mem>>) src(%dma_wait3A_76 : memref<10240x128xf32, #tpu.memory_space<hbm>>) dst(%dma_wait3A_70 : memref<64x128xf32, #tpu.memory_space<vmem>>)
      %dma_start3A_79 = arith.constant 0 : i32
      %dma_start3A_80 = arith.constant 0 : i32
      %dma_start3A_81 = tpu.memref_slice %arg7[%rem3A_66, %dma_start3A_79, %dma_start3A_80] : memref<2x64x128xf32, #tpu.memory_space<vmem>> -> memref<1x64x128xf32, #tpu.memory_space<vmem>>
      %dma_start3A_82 = tpu.memref_squeeze %dma_start3A_81 : memref<1x64x128xf32, #tpu.memory_space<vmem>> -> memref<64x128xf32, #tpu.memory_space<vmem>>
      %dma_start3A_83 = arith.constant 64 : i32
      %dma_start3A_84 = tpu.memref_slice %arg6[%scan3A_57, %dma_start3A_83] : memref<160x128xi32, #tpu.memory_space<vmem>> -> memref<1x64xi32, #tpu.memory_space<vmem>>
      %dma_start3A_85 = tpu.memref_squeeze %dma_start3A_84 : memref<1x64xi32, #tpu.memory_space<vmem>> -> memref<64xi32, #tpu.memory_space<vmem>>
      %dma_start3A_86 = arith.constant 0 : i32
      %dma_start3A_87 = arith.constant 0 : i32
      %dma_start3A_88 = tpu.memref_slice %arg8[%dma_start3A_86, %dma_start3A_87] : memref<10112x128xf32, #tpu.memory_space<vmem_shared>> -> memref<10112x128xf32, #tpu.memory_space<vmem_shared>>
      %dma_start3A_89 = tpu.memref_slice %arg10[%rem3A_66] : memref<2x!tpu.dma_semaphore, #tpu.memory_space<semaphore_mem>> -> memref<1x!tpu.dma_semaphore, #tpu.memory_space<semaphore_mem>>
      %dma_start3A_90 = tpu.memref_squeeze %dma_start3A_89 : memref<1x!tpu.dma_semaphore, #tpu.memory_space<semaphore_mem>> -> memref<!tpu.dma_semaphore, #tpu.memory_space<semaphore_mem>>
      tpu.enqueue_indirect_dma source(%dma_start3A_82 : memref<64x128xf32, #tpu.memory_space<vmem>>) target(%dma_start3A_88 : memref<10112x128xf32, #tpu.memory_space<vmem_shared>>) offsets(%dma_start3A_85 : memref<64xi32, #tpu.memory_space<vmem>>) semaphore(%dma_start3A_90 : memref<!tpu.dma_semaphore, #tpu.memory_space<semaphore_mem>>) {add = true}
    }
    %scan3A_26 = arith.constant 160 : i32
    %dma_wait3A = arith.constant 0 : i32
    %dma_wait3A_27 = arith.constant 158 : i32
    %dma_wait3A_28 = arith.constant 0 : i32
    %dma_wait3A_29 = arith.constant 0 : i32
    %dma_wait3A_30 = arith.constant 0 : i32
    %dma_wait3A_31 = tpu.memref_slice %arg7[%dma_wait3A, %dma_wait3A_29, %dma_wait3A_30] : memref<2x64x128xf32, #tpu.memory_space<vmem>> -> memref<1x64x128xf32, #tpu.memory_space<vmem>>
    %dma_wait3A_32 = tpu.memref_squeeze %dma_wait3A_31 : memref<1x64x128xf32, #tpu.memory_space<vmem>> -> memref<64x128xf32, #tpu.memory_space<vmem>>
    %dma_wait3A_33 = arith.constant 64 : i32
    %dma_wait3A_34 = tpu.memref_slice %arg6[%dma_wait3A_27, %dma_wait3A_33] : memref<160x128xi32, #tpu.memory_space<vmem>> -> memref<1x64xi32, #tpu.memory_space<vmem>>
    %dma_wait3A_35 = tpu.memref_squeeze %dma_wait3A_34 : memref<1x64xi32, #tpu.memory_space<vmem>> -> memref<64xi32, #tpu.memory_space<vmem>>
    %dma_wait3A_36 = arith.constant 0 : i32
    %dma_wait3A_37 = arith.constant 0 : i32
    %dma_wait3A_38 = tpu.memref_slice %arg8[%dma_wait3A_36, %dma_wait3A_37] : memref<10112x128xf32, #tpu.memory_space<vmem_shared>> -> memref<10112x128xf32, #tpu.memory_space<vmem_shared>>
    %dma_wait3A_39 = tpu.memref_slice %arg10[%dma_wait3A_28] : memref<2x!tpu.dma_semaphore, #tpu.memory_space<semaphore_mem>> -> memref<1x!tpu.dma_semaphore, #tpu.memory_space<semaphore_mem>>
    %dma_wait3A_40 = tpu.memref_squeeze %dma_wait3A_39 : memref<1x!tpu.dma_semaphore, #tpu.memory_space<semaphore_mem>> -> memref<!tpu.dma_semaphore, #tpu.memory_space<semaphore_mem>>
    tpu.wait_indirect_dma semaphore(%dma_wait3A_40 : memref<!tpu.dma_semaphore, #tpu.memory_space<semaphore_mem>>) src(%dma_wait3A_32 : memref<64x128xf32, #tpu.memory_space<vmem>>) dst(%dma_wait3A_38 : memref<10112x128xf32, #tpu.memory_space<vmem_shared>>)
    %dma_wait3A_41 = arith.constant 1 : i32
    %dma_wait3A_42 = arith.constant 159 : i32
    %dma_wait3A_43 = arith.constant 1 : i32
    %dma_wait3A_44 = arith.constant 0 : i32
    %dma_wait3A_45 = arith.constant 0 : i32
    %dma_wait3A_46 = tpu.memref_slice %arg7[%dma_wait3A_41, %dma_wait3A_44, %dma_wait3A_45] : memref<2x64x128xf32, #tpu.memory_space<vmem>> -> memref<1x64x128xf32, #tpu.memory_space<vmem>>
    %dma_wait3A_47 = tpu.memref_squeeze %dma_wait3A_46 : memref<1x64x128xf32, #tpu.memory_space<vmem>> -> memref<64x128xf32, #tpu.memory_space<vmem>>
    %dma_wait3A_48 = arith.constant 64 : i32
    %dma_wait3A_49 = tpu.memref_slice %arg6[%dma_wait3A_42, %dma_wait3A_48] : memref<160x128xi32, #tpu.memory_space<vmem>> -> memref<1x64xi32, #tpu.memory_space<vmem>>
    %dma_wait3A_50 = tpu.memref_squeeze %dma_wait3A_49 : memref<1x64xi32, #tpu.memory_space<vmem>> -> memref<64xi32, #tpu.memory_space<vmem>>
    %dma_wait3A_51 = arith.constant 0 : i32
    %dma_wait3A_52 = arith.constant 0 : i32
    %dma_wait3A_53 = tpu.memref_slice %arg8[%dma_wait3A_51, %dma_wait3A_52] : memref<10112x128xf32, #tpu.memory_space<vmem_shared>> -> memref<10112x128xf32, #tpu.memory_space<vmem_shared>>
    %dma_wait3A_54 = tpu.memref_slice %arg10[%dma_wait3A_43] : memref<2x!tpu.dma_semaphore, #tpu.memory_space<semaphore_mem>> -> memref<1x!tpu.dma_semaphore, #tpu.memory_space<semaphore_mem>>
    %dma_wait3A_55 = tpu.memref_squeeze %dma_wait3A_54 : memref<1x!tpu.dma_semaphore, #tpu.memory_space<semaphore_mem>> -> memref<!tpu.dma_semaphore, #tpu.memory_space<semaphore_mem>>
    tpu.wait_indirect_dma semaphore(%dma_wait3A_55 : memref<!tpu.dma_semaphore, #tpu.memory_space<semaphore_mem>>) src(%dma_wait3A_47 : memref<64x128xf32, #tpu.memory_space<vmem>>) dst(%dma_wait3A_53 : memref<10112x128xf32, #tpu.memory_space<vmem_shared>>)
    %barrier3A_56 = arith.constant 0 : index
    tpu.barrier barrier_id(%barrier3A_56)
    "tpu.region"() ({
      %run_scoped3A = tpu.sem_alloc : memref<!tpu.dma_semaphore, #tpu.memory_space<semaphore_mem>>
      %dma_start3A_57 = arith.constant 0 : i32
      %dma_start3A_58 = tpu.memref_slice %arg5[%arg0, %multiple_of3A, %dma_start3A_57] : memref<2x10240x128xf32, #tpu.memory_space<hbm>> -> memref<1x632x128xf32, #tpu.memory_space<hbm>>
      %dma_start3A_59 = tpu.memref_squeeze %dma_start3A_58 : memref<1x632x128xf32, #tpu.memory_space<hbm>> -> memref<632x128xf32, #tpu.memory_space<hbm>>
      %dma_start3A_60 = arith.constant 0 : i32
      %dma_start3A_61 = tpu.memref_slice %arg8[%multiple_of3A, %dma_start3A_60] : memref<10112x128xf32, #tpu.memory_space<vmem_shared>> -> memref<632x128xf32, #tpu.memory_space<vmem_shared>>
      tpu.enqueue_dma source(%dma_start3A_61 : memref<632x128xf32, #tpu.memory_space<vmem_shared>>) target(%dma_start3A_59 : memref<632x128xf32, #tpu.memory_space<hbm>>) target_semaphore(%run_scoped3A : memref<!tpu.dma_semaphore, #tpu.memory_space<semaphore_mem>>)
      %dma_wait3A_62 = arith.constant 0 : i32
      %dma_wait3A_63 = tpu.memref_slice %arg5[%arg0, %multiple_of3A, %dma_wait3A_62] : memref<2x10240x128xf32, #tpu.memory_space<hbm>> -> memref<1x632x128xf32, #tpu.memory_space<hbm>>
      %dma_wait3A_64 = tpu.memref_squeeze %dma_wait3A_63 : memref<1x632x128xf32, #tpu.memory_space<hbm>> -> memref<632x128xf32, #tpu.memory_space<hbm>>
      %dma_wait3A_65 = arith.constant 0 : i32
      %dma_wait3A_66 = tpu.memref_slice %arg8[%multiple_of3A, %dma_wait3A_65] : memref<10112x128xf32, #tpu.memory_space<vmem_shared>> -> memref<632x128xf32, #tpu.memory_space<vmem_shared>>
      tpu.wait_dma2 semaphore(%run_scoped3A : memref<!tpu.dma_semaphore, #tpu.memory_space<semaphore_mem>>) src(%dma_wait3A_66 : memref<632x128xf32, #tpu.memory_space<vmem_shared>>) dst(%dma_wait3A_64 : memref<632x128xf32, #tpu.memory_space<hbm>>)
      tpu.yield
    }) : () -> ()
    return
  }
}

module attributes {stable_mosaic.version = 14 : i64} {
  func.func @_l1_body(%arg0: i32, %arg1: memref<512x128xf32, #tpu.memory_space<vmem>>, %arg2: memref<128x128xf32, #tpu.memory_space<vmem>>, %arg3: memref<512x1xf32, #tpu.memory_space<vmem>>, %arg4: memref<512x1xf32, #tpu.memory_space<vmem>>, %arg5: memref<512x128xf32, #tpu.memory_space<vmem>>) attributes {dimension_semantics = [#tpu.dimension_semantics<arbitrary>], iteration_bounds = array<i64: 20>, scalar_prefetch = 0 : i64, scratch_operands = 0 : i64, tpu.core_type = #tpu.core_type<tc>, window_params = [{transform_indices = @transform_0, window_bounds = array<i64: 512, 128>}, {pipeline_mode = #tpu.pipeline_mode<synchronous>, transform_indices = @transform_1, window_bounds = array<i64: 128, 128>}, {transform_indices = @transform_2, window_bounds = array<i64: 512, 1>}, {transform_indices = @transform_3, window_bounds = array<i64: 512, 1>}, {transform_indices = @transform_4, window_bounds = array<i64: 512, 128>}]} {
    %get3A = arith.constant 0 : index
    %get3A_0 = arith.constant 0 : index
    %get3A_1 = vector.load %arg3[%get3A, %get3A_0] : memref<512x1xf32, #tpu.memory_space<vmem>>, vector<512x1xf32>
    %get3A_2 = arith.constant 0 : index
    %get3A_3 = arith.constant 0 : index
    %get3A_4 = vector.load %arg4[%get3A_2, %get3A_3] : memref<512x1xf32, #tpu.memory_space<vmem>>, vector<512x1xf32>
    %add3A = arith.addf %get3A_1, %get3A_4 : vector<512x1xf32>
    %add3A_5 = arith.constant 1.000000e+00 : f32
    %add3A_6 = vector.broadcast %add3A_5 : f32 to vector<512x1xf32>
    %add3A_7 = arith.addf %add3A, %add3A_6 : vector<512x1xf32>
    %rsqrt3A = math.rsqrt %add3A_7 : vector<512x1xf32>
    %get3A_8 = arith.constant 0 : index
    %get3A_9 = arith.constant 0 : index
    %get3A_10 = vector.load %arg1[%get3A_8, %get3A_9] : memref<512x128xf32, #tpu.memory_space<vmem>>, vector<512x128xf32>
    %get3A_11 = arith.constant 0 : index
    %get3A_12 = arith.constant 0 : index
    %get3A_13 = vector.load %arg2[%get3A_11, %get3A_12] : memref<128x128xf32, #tpu.memory_space<vmem>>, vector<128x128xf32>
    %dot_general3A = arith.constant dense<0.000000e+00> : vector<512x128xf32>
    %dot_general3A_14 = tpu.matmul %get3A_10, %get3A_13, %dot_general3A {dimension_numbers = #tpu.dot_dimension_numbers<[1], [0], [0], [1], [0, 0, 1, 1], [], []>, transpose_lhs_hint = false} : vector<512x128xf32>, vector<128x128xf32>, vector<512x128xf32> -> vector<512x128xf32>
    %mul3A = vector.broadcast %rsqrt3A : vector<512x1xf32> to vector<512x128xf32>
    %mul3A_15 = arith.mulf %mul3A, %dot_general3A_14 : vector<512x128xf32>
    %swap3A = arith.constant 0 : index
    %swap3A_16 = arith.constant 0 : index
    %swap3A_17 = vector.load %arg5[%swap3A, %swap3A_16] : memref<512x128xf32, #tpu.memory_space<vmem>>, vector<512x128xf32>
    tpu.vector_store %arg5[%swap3A, %swap3A_16], %mul3A_15 {strides = array<i32>} : memref<512x128xf32, #tpu.memory_space<vmem>>, vector<512x128xf32>,
    return
  }
  func.func @transform_0(%arg0: i32) -> (i32, i32) {
    %c0_i32 = arith.constant 0 : i32
    %c0_i32_0 = arith.constant 0 : i32
    return %arg0, %c0_i32 : i32, i32
  }
  func.func @transform_1(%arg0: i32) -> (i32, i32) {
    %c0_i32 = arith.constant 0 : i32
    %c0_i32_0 = arith.constant 0 : i32
    %c0_i32_1 = arith.constant 0 : i32
    return %c0_i32, %c0_i32_0 : i32, i32
  }
  func.func @transform_2(%arg0: i32) -> (i32, i32) {
    %c0_i32 = arith.constant 0 : i32
    %c0_i32_0 = arith.constant 0 : i32
    return %arg0, %c0_i32 : i32, i32
  }
  func.func @transform_3(%arg0: i32) -> (i32, i32) {
    %c0_i32 = arith.constant 0 : i32
    %c0_i32_0 = arith.constant 0 : i32
    return %arg0, %c0_i32 : i32, i32
  }
  func.func @transform_4(%arg0: i32) -> (i32, i32) {
    %c0_i32 = arith.constant 0 : i32
    %c0_i32_0 = arith.constant 0 : i32
    return %arg0, %c0_i32 : i32, i32
  }
}

module attributes {stable_mosaic.version = 14 : i64} {
  func.func @_l23_body(%arg0: i32, %arg1: memref<2x512x128xf32, #tpu.memory_space<vmem>>, %arg2: memref<512x128xf32, #tpu.memory_space<vmem>>, %arg3: memref<512x1xf32, #tpu.memory_space<vmem>>, %arg4: memref<512x1xf32, #tpu.memory_space<vmem>>, %arg5: memref<1x128xf32, #tpu.memory_space<vmem>>, %arg6: memref<128x128xf32, #tpu.memory_space<vmem>>, %arg7: memref<512x128xf32, #tpu.memory_space<vmem>>) attributes {dimension_semantics = [#tpu.dimension_semantics<arbitrary>], iteration_bounds = array<i64: 20>, scalar_prefetch = 0 : i64, scratch_operands = 0 : i64, tpu.core_type = #tpu.core_type<tc>, window_params = [{transform_indices = @transform_0, window_bounds = array<i64: 2, 512, 128>}, {transform_indices = @transform_1, window_bounds = array<i64: 512, 128>}, {transform_indices = @transform_2, window_bounds = array<i64: 512, 1>}, {transform_indices = @transform_3, window_bounds = array<i64: 512, 1>}, {pipeline_mode = #tpu.pipeline_mode<synchronous>, transform_indices = @transform_4, window_bounds = array<i64: 1, 128>}, {pipeline_mode = #tpu.pipeline_mode<synchronous>, transform_indices = @transform_5, window_bounds = array<i64: 128, 128>}, {transform_indices = @transform_6, window_bounds = array<i64: 512, 128>}]} {
    %get3A = arith.constant 0 : index
    %get3A_0 = arith.constant 0 : index
    %get3A_1 = vector.load %arg3[%get3A, %get3A_0] : memref<512x1xf32, #tpu.memory_space<vmem>>, vector<512x1xf32>
    %get3A_2 = arith.constant 0 : index
    %get3A_3 = arith.constant 0 : index
    %get3A_4 = vector.load %arg4[%get3A_2, %get3A_3] : memref<512x1xf32, #tpu.memory_space<vmem>>, vector<512x1xf32>
    %add3A = arith.addf %get3A_1, %get3A_4 : vector<512x1xf32>
    %add3A_5 = arith.constant 1.000000e+00 : f32
    %add3A_6 = vector.broadcast %add3A_5 : f32 to vector<512x1xf32>
    %add3A_7 = arith.addf %add3A, %add3A_6 : vector<512x1xf32>
    %rsqrt3A = math.rsqrt %add3A_7 : vector<512x1xf32>
    %get3A_8 = arith.constant 0 : index
    %get3A_9 = arith.constant 0 : index
    %get3A_10 = arith.constant 0 : index
    %get3A_11 = vector.load %arg1[%get3A_8, %get3A_9, %get3A_10] : memref<2x512x128xf32, #tpu.memory_space<vmem>>, vector<1x512x128xf32>
    %get3A_12 = vector.shape_cast %get3A_11 : vector<1x512x128xf32> to vector<512x128xf32>
    %get3A_13 = arith.constant 1 : index
    %get3A_14 = arith.constant 0 : index
    %get3A_15 = arith.constant 0 : index
    %get3A_16 = vector.load %arg1[%get3A_13, %get3A_14, %get3A_15] : memref<2x512x128xf32, #tpu.memory_space<vmem>>, vector<1x512x128xf32>
    %get3A_17 = vector.shape_cast %get3A_16 : vector<1x512x128xf32> to vector<512x128xf32>
    %add3A_18 = arith.addf %get3A_12, %get3A_17 : vector<512x128xf32>
    %get3A_19 = arith.constant 0 : index
    %get3A_20 = arith.constant 0 : index
    %get3A_21 = vector.load %arg2[%get3A_19, %get3A_20] : memref<512x128xf32, #tpu.memory_space<vmem>>, vector<512x128xf32>
    %add3A_22 = arith.addf %add3A_18, %get3A_21 : vector<512x128xf32>
    %mul3A = vector.broadcast %rsqrt3A : vector<512x1xf32> to vector<512x128xf32>
    %mul3A_23 = arith.mulf %mul3A, %add3A_22 : vector<512x128xf32>
    %get3A_24 = arith.constant 0 : index
    %get3A_25 = arith.constant 0 : index
    %get3A_26 = vector.load %arg5[%get3A_24, %get3A_25] : memref<1x128xf32, #tpu.memory_space<vmem>>, vector<1x128xf32>
    %add3A_27 = vector.broadcast %get3A_26 : vector<1x128xf32> to vector<512x128xf32>
    %add3A_28 = arith.addf %mul3A_23, %add3A_27 : vector<512x128xf32>
    %max3A = arith.constant 0.000000e+00 : f32
    %max3A_29 = vector.broadcast %max3A : f32 to vector<512x128xf32>
    %max3A_30 = arith.maximumf %add3A_28, %max3A_29 : vector<512x128xf32>
    %get3A_31 = arith.constant 0 : index
    %get3A_32 = arith.constant 0 : index
    %get3A_33 = vector.load %arg6[%get3A_31, %get3A_32] : memref<128x128xf32, #tpu.memory_space<vmem>>, vector<128x128xf32>
    %dot_general3A = arith.constant dense<0.000000e+00> : vector<512x128xf32>
    %dot_general3A_34 = tpu.matmul %max3A_30, %get3A_33, %dot_general3A {dimension_numbers = #tpu.dot_dimension_numbers<[1], [0], [0], [1], [0, 0, 1, 1], [], []>, transpose_lhs_hint = false} : vector<512x128xf32>, vector<128x128xf32>, vector<512x128xf32> -> vector<512x128xf32>
    %mul3A_35 = vector.broadcast %rsqrt3A : vector<512x1xf32> to vector<512x128xf32>
    %mul3A_36 = arith.mulf %mul3A_35, %dot_general3A_34 : vector<512x128xf32>
    %swap3A = arith.constant 0 : index
    %swap3A_37 = arith.constant 0 : index
    %swap3A_38 = vector.load %arg7[%swap3A, %swap3A_37] : memref<512x128xf32, #tpu.memory_space<vmem>>, vector<512x128xf32>
    tpu.vector_store %arg7[%swap3A, %swap3A_37], %mul3A_36 {strides = array<i32>} : memref<512x128xf32, #tpu.memory_space<vmem>>, vector<512x128xf32>,
    return
  }
  func.func @transform_0(%arg0: i32) -> (i32, i32, i32) {
    %c0_i32 = arith.constant 0 : i32
    %c0_i32_0 = arith.constant 0 : i32
    %c0_i32_1 = arith.constant 0 : i32
    return %c0_i32, %arg0, %c0_i32_0 : i32, i32, i32
  }
  func.func @transform_1(%arg0: i32) -> (i32, i32) {
    %c0_i32 = arith.constant 0 : i32
    %c0_i32_0 = arith.constant 0 : i32
    return %arg0, %c0_i32 : i32, i32
  }
  func.func @transform_2(%arg0: i32) -> (i32, i32) {
    %c0_i32 = arith.constant 0 : i32
    %c0_i32_0 = arith.constant 0 : i32
    return %arg0, %c0_i32 : i32, i32
  }
  func.func @transform_3(%arg0: i32) -> (i32, i32) {
    %c0_i32 = arith.constant 0 : i32
    %c0_i32_0 = arith.constant 0 : i32
    return %arg0, %c0_i32 : i32, i32
  }
  func.func @transform_4(%arg0: i32) -> (i32, i32) {
    %c0_i32 = arith.constant 0 : i32
    %c0_i32_0 = arith.constant 0 : i32
    %c0_i32_1 = arith.constant 0 : i32
    return %c0_i32, %c0_i32_0 : i32, i32
  }
  func.func @transform_5(%arg0: i32) -> (i32, i32) {
    %c0_i32 = arith.constant 0 : i32
    %c0_i32_0 = arith.constant 0 : i32
    %c0_i32_1 = arith.constant 0 : i32
    return %c0_i32, %c0_i32_0 : i32, i32
  }
  func.func @transform_6(%arg0: i32) -> (i32, i32) {
    %c0_i32 = arith.constant 0 : i32
    %c0_i32_0 = arith.constant 0 : i32
    return %arg0, %c0_i32 : i32, i32
  }
}

module attributes {stable_mosaic.version = 14 : i64} {
  func.func @body(%arg0: i32, %arg1: memref<2x512x128xf32, #tpu.memory_space<vmem>>, %arg2: memref<512x128xf32, #tpu.memory_space<vmem>>, %arg3: memref<512x1xf32, #tpu.memory_space<vmem>>, %arg4: memref<512x1xf32, #tpu.memory_space<vmem>>, %arg5: memref<1x128xf32, #tpu.memory_space<vmem>>, %arg6: memref<1x512xi32, #tpu.memory_space<vmem>>, %arg7: memref<128x10xf32, #tpu.memory_space<vmem>>, %arg8: memref<1x10xf32, #tpu.memory_space<vmem>>, %arg9: memref<256x10xf32, #tpu.memory_space<vmem>>, %arg10: memref<256x128xf32, #tpu.memory_space<vmem>>, %arg11: memref<256x1xf32, #tpu.memory_space<vmem>>) attributes {dimension_semantics = [#tpu.dimension_semantics<arbitrary>], iteration_bounds = array<i64: 20>, scalar_prefetch = 0 : i64, scratch_operands = 2 : i64, tpu.core_type = #tpu.core_type<tc>, window_params = [{transform_indices = @transform_0, window_bounds = array<i64: 2, 512, 128>}, {transform_indices = @transform_1, window_bounds = array<i64: 512, 128>}, {transform_indices = @transform_2, window_bounds = array<i64: 512, 1>}, {transform_indices = @transform_3, window_bounds = array<i64: 512, 1>}, {pipeline_mode = #tpu.pipeline_mode<synchronous>, transform_indices = @transform_4, window_bounds = array<i64: 1, 128>}, {transform_indices = @transform_5, window_bounds = array<i64: 1, 512>}, {pipeline_mode = #tpu.pipeline_mode<synchronous>, transform_indices = @transform_6, window_bounds = array<i64: 128, 10>}, {pipeline_mode = #tpu.pipeline_mode<synchronous>, transform_indices = @transform_7, window_bounds = array<i64: 1, 10>}, {pipeline_mode = #tpu.pipeline_mode<synchronous>, transform_indices = @transform_8, window_bounds = array<i64: 256, 10>}]} {
    %eq3A = arith.constant 0 : i32
    %eq3A_0 = arith.cmpi eq, %arg0, %eq3A : i32
    %convert_element_type3A = arith.extui %eq3A_0 : i1 to i32
    %cond3A = arith.constant 0 : i32
    %cond3A_1 = arith.cmpi ne, %convert_element_type3A, %cond3A : i32
    scf.if %cond3A_1 {
      %broadcast_in_dim3A_58 = arith.constant 0.000000e+00 : f32
      %broadcast_in_dim3A_59 = vector.broadcast %broadcast_in_dim3A_58 : f32 to vector<256x128xf32>
      %swap3A_60 = arith.constant 0 : index
      %swap3A_61 = arith.constant 0 : index
      %swap3A_62 = vector.load %arg10[%swap3A_60, %swap3A_61] : memref<256x128xf32, #tpu.memory_space<vmem>>, vector<256x128xf32>
      tpu.vector_store %arg10[%swap3A_60, %swap3A_61], %broadcast_in_dim3A_59 {strides = array<i32>} : memref<256x128xf32, #tpu.memory_space<vmem>>, vector<256x128xf32>,
      %broadcast_in_dim3A_63 = arith.constant 0.000000e+00 : f32
      %broadcast_in_dim3A_64 = vector.broadcast %broadcast_in_dim3A_63 : f32 to vector<256x1xf32>
      %swap3A_65 = arith.constant 0 : index
      %swap3A_66 = arith.constant 0 : index
      %swap3A_67 = vector.load %arg11[%swap3A_65, %swap3A_66] : memref<256x1xf32, #tpu.memory_space<vmem>>, vector<256x1xf32>
      tpu.vector_store %arg11[%swap3A_65, %swap3A_66], %broadcast_in_dim3A_64 {strides = array<i32>} : memref<256x1xf32, #tpu.memory_space<vmem>>, vector<256x1xf32>,
    } else {
    }
    %get3A = arith.constant 0 : index
    %get3A_2 = arith.constant 0 : index
    %get3A_3 = vector.load %arg3[%get3A, %get3A_2] : memref<512x1xf32, #tpu.memory_space<vmem>>, vector<512x1xf32>
    %get3A_4 = arith.constant 0 : index
    %get3A_5 = arith.constant 0 : index
    %get3A_6 = vector.load %arg4[%get3A_4, %get3A_5] : memref<512x1xf32, #tpu.memory_space<vmem>>, vector<512x1xf32>
    %add3A = arith.addf %get3A_3, %get3A_6 : vector<512x1xf32>
    %add3A_7 = arith.constant 1.000000e+00 : f32
    %add3A_8 = vector.broadcast %add3A_7 : f32 to vector<512x1xf32>
    %add3A_9 = arith.addf %add3A, %add3A_8 : vector<512x1xf32>
    %rsqrt3A = math.rsqrt %add3A_9 : vector<512x1xf32>
    %get3A_10 = arith.constant 0 : index
    %get3A_11 = arith.constant 0 : index
    %get3A_12 = arith.constant 0 : index
    %get3A_13 = vector.load %arg1[%get3A_10, %get3A_11, %get3A_12] : memref<2x512x128xf32, #tpu.memory_space<vmem>>, vector<1x512x128xf32>
    %get3A_14 = vector.shape_cast %get3A_13 : vector<1x512x128xf32> to vector<512x128xf32>
    %get3A_15 = arith.constant 1 : index
    %get3A_16 = arith.constant 0 : index
    %get3A_17 = arith.constant 0 : index
    %get3A_18 = vector.load %arg1[%get3A_15, %get3A_16, %get3A_17] : memref<2x512x128xf32, #tpu.memory_space<vmem>>, vector<1x512x128xf32>
    %get3A_19 = vector.shape_cast %get3A_18 : vector<1x512x128xf32> to vector<512x128xf32>
    %add3A_20 = arith.addf %get3A_14, %get3A_19 : vector<512x128xf32>
    %get3A_21 = arith.constant 0 : index
    %get3A_22 = arith.constant 0 : index
    %get3A_23 = vector.load %arg2[%get3A_21, %get3A_22] : memref<512x128xf32, #tpu.memory_space<vmem>>, vector<512x128xf32>
    %add3A_24 = arith.addf %add3A_20, %get3A_23 : vector<512x128xf32>
    %mul3A = vector.broadcast %rsqrt3A : vector<512x1xf32> to vector<512x128xf32>
    %mul3A_25 = arith.mulf %mul3A, %add3A_24 : vector<512x128xf32>
    %get3A_26 = arith.constant 0 : index
    %get3A_27 = arith.constant 0 : index
    %get3A_28 = vector.load %arg5[%get3A_26, %get3A_27] : memref<1x128xf32, #tpu.memory_space<vmem>>, vector<1x128xf32>
    %add3A_29 = vector.broadcast %get3A_28 : vector<1x128xf32> to vector<512x128xf32>
    %add3A_30 = arith.addf %mul3A_25, %add3A_29 : vector<512x128xf32>
    %iota3A = tpu.iota {dimensions = array<i32: 0>} : vector<256x512xi32>
    %get3A_31 = arith.constant 0 : index
    %get3A_32 = arith.constant 0 : index
    %get3A_33 = vector.load %arg6[%get3A_31, %get3A_32] : memref<1x512xi32, #tpu.memory_space<vmem>>, vector<1x512xi32>
    %eq3A_34 = vector.broadcast %get3A_33 : vector<1x512xi32> to vector<256x512xi32>
    %eq3A_35 = arith.cmpi eq, %iota3A, %eq3A_34 : vector<256x512xi32>
    %convert_element_type3A_36 = arith.extui %eq3A_35 : vector<256x512xi1> to vector<256x512xi32>
    %convert_element_type3A_37 = arith.sitofp %convert_element_type3A_36 : vector<256x512xi32> to vector<256x512xf32>
    %get3A_38 = arith.constant 0 : index
    %get3A_39 = arith.constant 0 : index
    %get3A_40 = vector.load %arg10[%get3A_38, %get3A_39] : memref<256x128xf32, #tpu.memory_space<vmem>>, vector<256x128xf32>
    %dot_general3A = arith.constant dense<0.000000e+00> : vector<256x128xf32>
    %dot_general3A_41 = tpu.matmul %convert_element_type3A_37, %add3A_30, %dot_general3A {dimension_numbers = #tpu.dot_dimension_numbers<[1], [0], [0], [1], [0, 0, 1, 1], [], []>, transpose_lhs_hint = false} : vector<256x512xf32>, vector<512x128xf32>, vector<256x128xf32> -> vector<256x128xf32>
    %add3A_42 = arith.addf %get3A_40, %dot_general3A_41 : vector<256x128xf32>
    %swap3A = arith.constant 0 : index
    %swap3A_43 = arith.constant 0 : index
    %swap3A_44 = vector.load %arg10[%swap3A, %swap3A_43] : memref<256x128xf32, #tpu.memory_space<vmem>>, vector<256x128xf32>
    tpu.vector_store %arg10[%swap3A, %swap3A_43], %add3A_42 {strides = array<i32>} : memref<256x128xf32, #tpu.memory_space<vmem>>, vector<256x128xf32>,
    %get3A_45 = arith.constant 0 : index
    %get3A_46 = arith.constant 0 : index
    %get3A_47 = vector.load %arg11[%get3A_45, %get3A_46] : memref<256x1xf32, #tpu.memory_space<vmem>>, vector<256x1xf32>
    %reduce_sum3A = arith.constant dense<0.000000e+00> : vector<256xf32>
    %reduce_sum3A_48 = vector.multi_reduction <add>, %convert_element_type3A_37, %reduce_sum3A [1] : vector<256x512xf32> to vector<256xf32>
    %broadcast_in_dim3A = vector.shape_cast %reduce_sum3A_48 : vector<256xf32> to vector<256x1xf32>
    %add3A_49 = arith.addf %get3A_47, %broadcast_in_dim3A : vector<256x1xf32>
    %swap3A_50 = arith.constant 0 : index
    %swap3A_51 = arith.constant 0 : index
    %swap3A_52 = vector.load %arg11[%swap3A_50, %swap3A_51] : memref<256x1xf32, #tpu.memory_space<vmem>>, vector<256x1xf32>
    tpu.vector_store %arg11[%swap3A_50, %swap3A_51], %add3A_49 {strides = array<i32>} : memref<256x1xf32, #tpu.memory_space<vmem>>, vector<256x1xf32>,
    %eq3A_53 = arith.constant 19 : i32
    %eq3A_54 = arith.cmpi eq, %arg0, %eq3A_53 : i32
    %convert_element_type3A_55 = arith.extui %eq3A_54 : i1 to i32
    %cond3A_56 = arith.constant 0 : i32
    %cond3A_57 = arith.cmpi ne, %convert_element_type3A_55, %cond3A_56 : i32
    scf.if %cond3A_57 {
      %get3A_58 = arith.constant 0 : index
      %get3A_59 = arith.constant 0 : index
      %get3A_60 = vector.load %arg10[%get3A_58, %get3A_59] : memref<256x128xf32, #tpu.memory_space<vmem>>, vector<256x128xf32>
      %get3A_61 = arith.constant 0 : index
      %get3A_62 = arith.constant 0 : index
      %get3A_63 = vector.load %arg11[%get3A_61, %get3A_62] : memref<256x1xf32, #tpu.memory_space<vmem>>, vector<256x1xf32>
      %max3A = arith.constant 1.000000e+00 : f32
      %max3A_64 = vector.broadcast %max3A : f32 to vector<256x1xf32>
      %max3A_65 = arith.maximumf %get3A_63, %max3A_64 : vector<256x1xf32>
      %div3A = vector.broadcast %max3A_65 : vector<256x1xf32> to vector<256x128xf32>
      %div3A_66 = arith.divf %get3A_60, %div3A : vector<256x128xf32>
      %get3A_67 = arith.constant 0 : index
      %get3A_68 = arith.constant 0 : index
      %get3A_69 = vector.load %arg7[%get3A_67, %get3A_68] : memref<128x10xf32, #tpu.memory_space<vmem>>, vector<128x10xf32>
      %dot_general3A_70 = arith.constant dense<0.000000e+00> : vector<256x10xf32>
      %dot_general3A_71 = tpu.matmul %div3A_66, %get3A_69, %dot_general3A_70 {dimension_numbers = #tpu.dot_dimension_numbers<[1], [0], [0], [1], [0, 0, 1, 1], [], []>, transpose_lhs_hint = false} : vector<256x128xf32>, vector<128x10xf32>, vector<256x10xf32> -> vector<256x10xf32>
      %get3A_72 = arith.constant 0 : index
      %get3A_73 = arith.constant 0 : index
      %get3A_74 = vector.load %arg8[%get3A_72, %get3A_73] : memref<1x10xf32, #tpu.memory_space<vmem>>, vector<1x10xf32>
      %add3A_75 = vector.broadcast %get3A_74 : vector<1x10xf32> to vector<256x10xf32>
      %add3A_76 = arith.addf %dot_general3A_71, %add3A_75 : vector<256x10xf32>
      %swap3A_77 = arith.constant 0 : index
      %swap3A_78 = arith.constant 0 : index
      %swap3A_79 = vector.load %arg9[%swap3A_77, %swap3A_78] : memref<256x10xf32, #tpu.memory_space<vmem>>, vector<256x10xf32>
      tpu.vector_store %arg9[%swap3A_77, %swap3A_78], %add3A_76 {strides = array<i32>} : memref<256x10xf32, #tpu.memory_space<vmem>>, vector<256x10xf32>,
    } else {
    }
    return
  }
  func.func @transform_0(%arg0: i32) -> (i32, i32, i32) {
    %c0_i32 = arith.constant 0 : i32
    %c0_i32_0 = arith.constant 0 : i32
    %c0_i32_1 = arith.constant 0 : i32
    return %c0_i32, %arg0, %c0_i32_0 : i32, i32, i32
  }
  func.func @transform_1(%arg0: i32) -> (i32, i32) {
    %c0_i32 = arith.constant 0 : i32
    %c0_i32_0 = arith.constant 0 : i32
    return %arg0, %c0_i32 : i32, i32
  }
  func.func @transform_2(%arg0: i32) -> (i32, i32) {
    %c0_i32 = arith.constant 0 : i32
    %c0_i32_0 = arith.constant 0 : i32
    return %arg0, %c0_i32 : i32, i32
  }
  func.func @transform_3(%arg0: i32) -> (i32, i32) {
    %c0_i32 = arith.constant 0 : i32
    %c0_i32_0 = arith.constant 0 : i32
    return %arg0, %c0_i32 : i32, i32
  }
  func.func @transform_4(%arg0: i32) -> (i32, i32) {
    %c0_i32 = arith.constant 0 : i32
    %c0_i32_0 = arith.constant 0 : i32
    %c0_i32_1 = arith.constant 0 : i32
    return %c0_i32, %c0_i32_0 : i32, i32
  }
  func.func @transform_5(%arg0: i32) -> (i32, i32) {
    %c0_i32 = arith.constant 0 : i32
    %c0_i32_0 = arith.constant 0 : i32
    return %c0_i32, %arg0 : i32, i32
  }
  func.func @transform_6(%arg0: i32) -> (i32, i32) {
    %c0_i32 = arith.constant 0 : i32
    %c0_i32_0 = arith.constant 0 : i32
    %c0_i32_1 = arith.constant 0 : i32
    return %c0_i32, %c0_i32_0 : i32, i32
  }
  func.func @transform_7(%arg0: i32) -> (i32, i32) {
    %c0_i32 = arith.constant 0 : i32
    %c0_i32_0 = arith.constant 0 : i32
    %c0_i32_1 = arith.constant 0 : i32
    return %c0_i32, %c0_i32_0 : i32, i32
  }
  func.func @transform_8(%arg0: i32) -> (i32, i32) {
    %c0_i32 = arith.constant 0 : i32
    %c0_i32_0 = arith.constant 0 : i32
    %c0_i32_1 = arith.constant 0 : i32
    return %c0_i32, %c0_i32_0 : i32, i32
  }
}

</mosaic_0001>

<sc_bundles>
// kernel: kernel.10.cloned.1.call-start
scs
__scs_entry_jumppad:
0x0: {  	(pc) =	sbr.rel $0x88, $3  }
0x1: {  	(tag) =	ssettag $0x0;
	lr =	simm.s32 $0x1  }
0x2: {  	[smem:$0x3F96] =	sst lr;
	_ =	strace $0xD0000000  }
0x3: {  	_ = 	snop  }
0x4: {  	_ = 	snop  }
0x5: {  	_ = 	snop  }
0x6: {  	_ = 	snop  }
0x7: {  	_ = 	snop  }
__scs_overlays_trampoline_lowered:
0x8: {  	[smem:$0x3FA5] =	sst s0  }
0x9: {  	[smem:$0x3FA6] =	sst s1  }
0xa: {  	[smem:$0x3FA7] =	sst s2  }
0xb: {  	[smem:$0x3FA8] =	sst s3  }
0xc: {  	[smem:$0x3FA9] =	sst s4  }
0xd: {  	[smem:$0x3FAA] =	sst s5  }
0xe: {  	[smem:$0x3FAB] =	sst s6  }
0xf: {  	[smem:$0x3FAC] =	sst s7  }
0x10: {  	[smem:$0x3FAD] =	sst s8  }
0x11: {  	[smem:$0x3FAE] =	sst s9;
	s0 =	simm.s32 @!p0 $0x0  }
0x12: {  	s1 =	sld [smem:$0x3F94];
	s0 =	simm.s32 @p0 $0x1  }
0x13: {  	[smem:$0x3FAF] =	sst s0;
	s0 =	simm.s32 @!p1 $0x0  }
0x14: {  	s2 =	sld [smem:$0x3F93];
	s0 =	simm.s32 @p1 $0x1  }
0x15: {  	[smem:$0x3FB0] =	sst s0;
	s0 =	simm.s32 @!p2 $0x0  }
0x16: {  	s3 =	sld [smem:$0x3FDB];
	s0 =	simm.s32 @p2 $0x1  }
0x17: {  	s4 =	simm.s32 $0x1BF5;
	[smem:$0x3FB2] =	sst s0  }
0x18: {  	s0 =	sld [smem:$0x3F95];
	_ =	swait.ge [sflag:s4], $0x0  }
0x19: {  	s7 =	sld [smem:$0x3F96]  }
0x1a: {  	s8 =	sadd.s32 $0xFFFFE003, lr  }
0x1b: {  	s9 =	sadd.s32 $0xFFFFFEF7, lr;
	s5 =	simm.s32 $0xFFFFFFFF;
	p2 =	slt.u32 s8, $0xFFFFF086  }
0x1c: {  	p1 =	slt.u32 s9, $0xF7A;
	s5 =	simm.s32 @!p2 $0x0  }
0x1d: {  	s5 =	simm.s32 @p1 $0x1;
	p0 =	seq.s32 s7, s2  }
0x1e: {  	s7 =	smul.u32 @!p0 $0xF7A, s2;
	p2 =	seq.s32 @!p0 s5, $0x0  }
0x1f: {  	s9 =	smul.u32 $0xF7A, s1;
	s8 =	simm.s32 @!p0 $0x1BF5;
	p2 =	por !p2, p0  }
0x20: {  	[sflag:s8] =	ssyncset.s32 @!p0 $0xFFFFF086;
	s6 =	sadd.s32 @!p0 s3, s7;
	s7 =	simm.s32 @!p0 $0x108  }
0x21: {  	s3 =	sadd.s32 s3, s9;
	s6 =	sadd.s32 @!p0 $0x88, s6;
	s7 =	simm.s32 @p2 $0x1082  }
0x22: {  	[simem:s7], [sflag:s8] =	dma.local @!p0 [hbm:s6], $0xF7A  }
0x23: {  	s9 =	sor.u32 $0xD0000000, s2;
	s6 =	simm.s32 $0x108;
	_ =	swait.ge @!p0 [sflag:s8], $0x0  }
0x24: {  	s3 =	sadd.s32 $0x88, s3;
	s6 =	simm.s32 @!p1 $0x1082;
	[sflag:s4] =	ssyncset.s32 $0xFFFFF086  }
0x25: {  	[simem:s6], [sflag:s4] =	dma.local [hbm:s3], $0xF7A  }
0x26: {  	[smem:$0x3F96] =	sst s1;
	(tag) =	ssettag s2;
	_ =	strace s9  }
0x27: {  	s1 =	sld [smem:$0x3FA6]  }
0x28: {  	s2 =	sld [smem:$0x3FA7]  }
0x29: {  	s4 =	sld [smem:$0x3FA9]  }
0x2a: {  	p0 =	seq.s32 s5, $0x0;
	s5 =	sld [smem:$0x3FAA]  }
0x2b: {  	s6 =	sld [smem:$0x3FAB]  }
0x2c: {  	s7 =	sld [smem:$0x3FAC]  }
0x2d: {  	s3 =	simm.s32 $0x108;
	s8 =	sld [smem:$0x3FAD]  }
0x2e: {  	s3 =	simm.s32 @!p0 $0x1082;
	s9 =	sld [smem:$0x3FAE]  }
0x2f: {  	lr =	sadd.s32 s0, s3;
	s0 =	sld [smem:$0x3FA5]  }
0x30: {  	s3 =	sld [smem:$0x3FA8]  }
0x31: {  	[smem:$0x3FB1] =	sst s10  }
0x32: {  	s10 =	sld [smem:$0x3FAF];
	_ =	sdelay $0x3  }
0x33: {  	p0 =	seq.s32 s10, $0x1;
	s10 =	sld [smem:$0x3FB1];
	_ =	sdelay $0x3  }
0x34: {  	[smem:$0x3FB1] =	sst s10  }
0x35: {  	s10 =	sld [smem:$0x3FB0];
	_ =	sdelay $0x3  }
0x36: {  	p1 =	seq.s32 s10, $0x1;
	s10 =	sld [smem:$0x3FB1];
	_ =	sdelay $0x3  }
0x37: {  	[smem:$0x3FB1] =	sst s10  }
0x38: {  	s10 =	sld [smem:$0x3FB2]  }
0x39: {  	_ = 	snop;
	(pc) =	sbr.ind lr, $3  }
0x3a: {  	_ = 	snop  }
0x3b: {  	_ = 	snop  }
0x3c: {  	p2 =	seq.s32 s10, $0x1;
	s10 =	sld [smem:$0x3FB1]  }
0x3d: {  	_ =	shalt  }
0x3e: {  	_ =	shalt  }
0x3f: {  	_ =	shalt  }
0x40: {  	_ =	shalt  }
0x41: {  	_ =	shalt  }
0x42: {  	_ =	shalt  }
0x43: {  	_ =	shalt  }
0x44: {  	_ =	shalt  }
0x45: {  	_ =	shalt  }
0x46: {  	_ =	shalt  }
0x47: {  	_ =	shalt  }
0x48: {  	_ =	shalt  }
0x49: {  	_ =	shalt  }
0x4a: {  	_ =	shalt  }
0x4b: {  	_ =	shalt  }
0x4c: {  	_ =	shalt  }
0x4d: {  	_ =	shalt  }
0x4e: {  	_ =	shalt  }
0x4f: {  	_ =	shalt  }
0x50: {  	_ =	shalt  }
0x51: {  	_ =	shalt  }
0x52: {  	_ =	shalt  }
0x53: {  	_ =	shalt  }
0x54: {  	_ =	shalt  }
0x55: {  	_ =	shalt  }
0x56: {  	_ =	shalt  }
0x57: {  	_ =	shalt  }
0x58: {  	_ =	shalt  }
0x59: {  	_ =	shalt  }
0x5a: {  	_ =	shalt  }
0x5b: {  	_ =	shalt  }
0x5c: {  	_ =	shalt  }
0x5d: {  	_ =	shalt  }
0x5e: {  	_ =	shalt  }
0x5f: {  	_ =	shalt  }
0x60: {  	_ =	shalt  }
0x61: {  	_ =	shalt  }
0x62: {  	_ =	shalt  }
0x63: {  	_ =	shalt  }
0x64: {  	_ =	shalt  }
0x65: {  	_ =	shalt  }
0x66: {  	_ =	shalt  }
0x67: {  	_ =	shalt  }
0x68: {  	_ =	shalt  }
0x69: {  	_ =	shalt  }
0x6a: {  	_ =	shalt  }
0x6b: {  	_ =	shalt  }
0x6c: {  	_ =	shalt  }
0x6d: {  	_ =	shalt  }
0x6e: {  	_ =	shalt  }
0x6f: {  	_ =	shalt  }
0x70: {  	_ =	shalt  }
0x71: {  	_ =	shalt  }
0x72: {  	_ =	shalt  }
0x73: {  	_ =	shalt  }
0x74: {  	_ =	shalt  }
0x75: {  	_ =	shalt  }
0x76: {  	_ =	shalt  }
0x77: {  	_ =	shalt  }
0x78: {  	_ =	shalt  }
0x79: {  	_ =	shalt  }
0x7a: {  	_ =	shalt  }
0x7b: {  	_ =	shalt  }
0x7c: {  	_ =	shalt  }
0x7d: {  	_ =	shalt  }
0x7e: {  	_ =	shalt  }
0x7f: {  	_ =	shalt  }
0x80: {  	_ =	shalt  }
0x81: {  	_ =	shalt  }
0x82: {  	_ =	shalt  }
0x83: {  	_ =	shalt  }
0x84: {  	_ =	shalt  }
0x85: {  	_ =	shalt  }
0x86: {  	_ =	shalt  }
0x87: {  	_ =	shalt  }
.Lfunc_end0:
.L_simem_size_0:
called_computation_lowered:
.L_overlay_start_0:
0x88: {  	s2 =	sld [smem:$0x3FD9]  }
0x89: {  	s3 =	sld [smem:$0x3FFE];
	_ =	sdelay $0x1  }
0x8a: {  	s1 =	srdreg.scid  }
0x8b: {  	s0 =	sand.u32 $0x1, s1  }
0x8c: {  	s16 =	sshll.u32 s0, $0xA;
	s2 =	sadd.s32 s3, s2  }
0x8d: {  	s2 =	sadd.s32 s2, s16  }
0x8e: {  	[smem:$0x3FBD] =	sst s2  }
0x8f: {  	_ = 	snop  }
0x90: {  	(tm) =	ssettm $0x1  }
0x91: {  	s17 =	sld [smem:$0x3FFB];
	_ =	sdelay $0x3  }
0x92: {  	_ =	strace s17  }
0x93: {  	s2 =	sld [smem:$0x3FFC];
	_ =	sdelay $0x3  }
0x94: {  	_ =	strace s2  }
0x95: {  	s2 =	sld [smem:$0x3FFD];
	_ =	sdelay $0x3  }
0x96: {  	_ =	strace s2  }
0x97: {  	_ =	strace $0x8FFFFFFF  }
0x98: {  	s18 =	sld [smem:$0x3FDB];
	_ =	sdelay $0x1  }
0x99: {  	s19 =	simm.s32 $_scs_section_size  }
0x9a: {  	s4 =	simm.s32 $_size__tile_overlayer_lowered;
	s5 =	simm.s32 $_tile_overlayer_lowered  }
0x9b: {  	s22 =	simm.s32 $0x1BFF;
	s21 =	sshll.u32 s5, $0x1;
	s2 =	sadd.s32 s19, s18  }
0x9c: {  	s6 =	simm.s32 $0x0;
	s20 =	sshll.u32 s4, $0x1;
	s4 =	sadd.s32 s21, s2  }
0x9d: {  	[timem:s6], [sflag:s22] =	dma.local [hbm:s4], s20  }
0x9e: {  	_ =	swait.ge [sflag:s22], s20  }
0x9f: {  	s3 =	ssub.s32 $0x0, s20;
	[sflag:s22] =	ssyncset.done $0x0  }
0xa0: {  	[sflag:s22] =	ssyncadd.s32 s3;
	_ =	sdelay $0x1  }
0xa1: {  	s23 =	simm.s32 $0x1B8B  }
0xa2: {  	_ =	swait.ge [sflag:s23], $0x1  }
0xa3: {  	[sflag:s23] =	ssyncset.done $0x0  }
0xa4: {  	s25 =	simm.s32 $0x1B8E;
	s24 =	sld [smem:$0x3FFE];
	[sflag:s23] =	ssyncadd.s32 $0xFFFFFFFF  }
0xa5: {  	s26 =	simm.s32 $execute0_lowered;
	[smem:$0x3FD2] =	sst s25  }
0xa6: {  	s4 =	sshll.u32 s26, $0x1;
	_ =	strace $0x80000046;
	[dreg:$0x1] =	wrdreg $0xFFFFFFFF  }
0xa7: {  	s28 =	simm.s32 $_size_execute0_lowered;
	s2 =	sadd.s32 s2, s4;
	[dreg:$0x0] =	wrdreg $0x0  }
0xa8: {  	s4 =	sshll.u32 s28, $0x1;
	[dreg:$0x2] =	wrdreg s2  }
0xa9: {  	[dreg:$0x3] =	wrdreg s4  }
0xaa: {  	[dreg:$0x4] =	wrdreg $0xC0  }
0xab: {  	_ =	task [dreg:s6], $0x5FFFF  }
0xac: {  	[dreg:$0x1] =	wrdreg $0xFFFFFFFF  }
0xad: {  	[dreg:$0x0] =	wrdreg $0x60  }
0xae: {  	[dreg:$0x2] =	wrdreg s24  }
0xaf: {  	[dreg:$0x3] =	wrdreg $0x70000  }
0xb0: {  	[dreg:$0x4] =	wrdreg $0x9  }
0xb1: {  	_ =	task.clear_ibuf [dreg:s6], $0x5FFFF;
	_ =	strace $0x90000046  }
0xb2: {  	s29 =	simm.s32 $0x9;
	_ =	strace $0x80000048  }
0xb3: {  	_ =	swait.ge [sflag:s29], $0x1  }
0xb4: {  	[sflag:s29] =	ssyncadd.s32 $0xFFFFFFFF  }
0xb5: {  	_ =	strace $0x90000048  }
0xb6: {  	_ =	sfence  }
0xb7: {  	s30 =	sld [smem:$0x0];
	_ =	sdelay $0x2  }
0xb8: {  	s31 =	sshll.u32 s1, $0xD;
	s1 =	sshrl.u32 s1, $0x2  }
0xb9: {  	s3 =	sand.u32 $0x4000, s31;
	s1 =	sadd.s32 s1, s30  }
0xba: {  	s0 =	sor.u32 s3, s0;
	s1 =	sshll.u32 s1, $0x11  }
0xbb: {  	s0 =	sor.u32 s1, s0  }
0xbc: {  	s0 =	sadd.s32 $0x8F2B, s0  }
0xbd: {  	[sflag:s0] =	ssyncadd.remote.s32 $0x1  }
0xbe: {  	_ =	sfence.sel $0xFFFF  }
0xbf: {  	[dreg:$0x0] =	wrdreg $0xFFFFFFFF;
	(pc) =	sbr.abs _section_cstart, $3  }
0xc0: {  	[dreg:$0x1] =	wrdreg $0xFFFFFFFF  }
0xc1: {  	_ =	task.clear_ibuf [dreg:s6], $0x2FFFF;
	_ =	strace $0x9FFFFFFF  }
0xc2: {  	(tm) =	ssettm $0x7FFFFFFF  }
0xc3: {  	_ =	shalt  }
tec
execute0_lowered:
.L_overlay_start_1:
0x0: {  	(tag) =	ssettag $0x1  }
0x1: {  	s0 =	srdreg.scid;
	s6 =	rddreg [dreg:$0x0]  }
0x2: {  	s2 =	rddreg [dreg:$0x1];
	s3 =	simm.s32 $0x0;
	s5 =	sand.u32 $0x1, s0  }
0x3: {  	s12 =	simm.s32 $0x5000;
	s0 =	stileid.u32;
	s7 =	smul.u32 $0x140000, s5  }
0x4: {  	s13 =	simm.s32 $0x0;
	[smem:$0x7FF] =	sst s3;
	s8 =	smul.u32 $0x14000, s0  }
0x5: {  	s1 =	sshll.u32 s5, $0x4;
	s29 =	smul.u32 $0x50000, s0;
	s5 =	ssub.s32 $0x2, s5  }
0x6: {  	s31 =	sshll.u32 s0, $0x6;
	s1 =	sor.u32 s0, s1;
	s30 =	sshrl.u32 s5, $0x1  }
0x7: {  	s4 =	smul.u32 $0xA00, s1;
	s1 =	rddreg [dreg:$0x2];
	_ =	strace $0x80000047  }
0x8: {  	s7 =	sadd.s32 s8, s7;
	s8 =	sshrl.u32 s29, $0x2;
	s10 =	ssub.s32 s5, s30  }
0x9: {  	s5 =	sor.u32 $0x1C01, s31;
	s7 =	sshrl.u32 s7, $0x3;
	s11 =	sadd.s32 s8, s2  }
0xa: {  	s8 =	smax.u32 s10, $0x1;
	s10 =	simm.s32 $0x1;
	s9 =	sadd.s32 s4, s6  }
0xb: {  	v0 =	vimm.f32 $0.0e+00;
	vm0 =	vcmask $0x300;
	s4 =	sadd.s32 $0x17800, s6;
	s7 =	sadd.s32 s7, s6;
	s6 =	sadd.s32 $0x3800, s9  }
0xc: {  	v0 =	vsel vm0, $0x3F800000, v0;
	s7 =	sadd.s32 $0x1A000, s7;
	s9 =	sshrl.u32 s11, $0x3;
	s11 =	simm.s32 $0x40  }
.LBB2_1:
0xd: {  	[spmem:s9], [sflag:s5] =	dma.local [hbm:s4], $0x2800  }
0xe: {  	_ =	swait.ge [sflag:s10], $0x2800  }
0xf: {  	[sflag:s10] =	ssyncset.done $0x0  }
0x10: {  	[sflag:s10] =	ssyncadd.s32 $0xFFFFD800  }
0x11: {  	[tilespmem:s3], [sflag:$0x1] =	stream.linear.gather [hbm4b:s6+s3], $0x5000, $0x38;
	[tilespmem:$0x9800] =	vst v63  }
0x12: {  	_ =	swait.ge [sflag:s10], $0x5000  }
0x13: {  	[sflag:s10] =	ssyncset.done $0x0  }
0x14: {  	s14 =	simm.s32 $0x200;
	s15 =	simm.s32 $0x0;
	[sflag:s10] =	ssyncadd.s32 $0xFFFFB000  }
.LBB2_2:
0x15: {  	p0 =	sne.s32 s14, $0x7E00;
	[tilespmem:s15+$0x5000] =	vst v0;
	s15 =	smov.u32 s14;
	s14 =	sadd.s32 $0x200, s14  }
.Ltmp0:
0x16: {  	(pc) =	sbr.rel @p0 .LBB2_2-.Ltmp0, $2  }
0x17: {  	_ =	sdelay $0x2  }
0x18: {  	s15 =	sshra.s32 s15, $0x2  }
0x19: {  	[tilespmem:s15+$0x5000] =	vst v0  }
0x1a: {  	s14 =	simm.s32 $0x0;
	[bflag:$0x0] =	sbarrier.arrive $0xFFFF  }
0x1b: {  	[spmem:s2] =	stream.indirect.scatter.add.f32 [tilespmem:s12], [sflag:$0x1], $0x10, s14, s11, $0xb8;
	[tilespmem:$0x9800] =	vst v63  }
0x1c: {  	_ =	swait.ge [sflag:s10], $0x400  }
0x1d: {  	s14 =	simm.s32 $0x200;
	[sflag:s10] =	ssyncset.done $0x0  }
.LBB2_4:
0x1e: {  	s15 =	sshra.s32 s14, $0x2;
	[sflag:s10] =	ssyncadd.s32 $0xFFFFFC00;
	p0 =	sne.s32 s14, $0x13E00  }
0x1f: {  	[spmem:s2] =	stream.indirect.scatter.add.f32 [tilespmem:s12], [sflag:$0x1], $0x10, s15, s11, $0xb8;
	[tilespmem:$0x9800] =	vst v63  }
.Ltmp1:
0x20: {  	_ = 	snop;
	(pc) =	sbr.rel @p0 .LBB2_4-.Ltmp1, $4  }
0x21: {  	_ = 	snop  }
0x22: {  	s14 =	sadd.s32 $0x200, s14  }
0x23: {  	_ =	swait.ge [sflag:s10], $0x400  }
0x24: {  	[sflag:s10] =	ssyncset.done $0x0  }
0x25: {  	s13 =	sadd.s32 $0x1, s13  }
0x26: {  	[sflag:s10] =	ssyncadd.s32 $0xFFFFFC00;
	p0 =	sne.s32 s13, s8  }
.Ltmp2:
0x27: {  	[bflag:$0x0] =	sbarrier.arrive $0xFFFF;
	(pc) =	sbr.rel @p0 .LBB2_1-.Ltmp2, $4  }
0x28: {  	[hbm:s7], [sflag:s5] =	dma.local [spmem:s9], $0x2800  }
0x29: {  	_ =	swait.ge [sflag:s10], $0x2800  }
0x2a: {  	[sflag:s10] =	ssyncset.done $0x0  }
0x2b: {  	[sflag:s10] =	ssyncadd.s32 $0xFFFFD800  }
0x2c: {  	_ =	sfence.sel $0x180000  }
0x2d: {  	[bflag:$0x0] =	sbarrier.arrive $0xFFFF  }
0x2e: {  	p0 =	sne.s32 s0, $0x0;
	_ =	strace $0x90000047  }
0x2f: {  	s0 =	sadd.s32 @!p0 $0x100000, s1;
	[bflag:$0x2] =	sbarrier.arrive $0xFFFF  }
0x30: {  	[sflag:s0] =	ssyncadd.tile.s32 @!p0 $0x1;
	_ =	shalt  }
.Lfunc_end2:
_tile_overlayer_lowered:
.L_overlay_start_2:
0x31: {  	(tag) =	ssettag $0x2  }
0x32: {  	s0 =	rddreg [dreg:$0x0];
	s2 =	stileid.u32  }
0x33: {  	s1 =	rddreg [dreg:$0x1];
	p0 =	sne.s32 s2, $0x0  }
0x34: {  	s3 =	rddreg [dreg:$0x2];
	[bflag:$0x3] =	sbarrier.arrive $0xFFFF;
	s2 =	simm.s32 @!p0 $0x1C01  }
0x35: {  	[timem:s3], [sflag:s2] =	dma.local @!p0 [hbm:s0], s1  }
0x36: {  	s0 =	simm.s32 @!p0 $0x1  }
0x37: {  	_ =	swait.ge @!p0 [sflag:s0], s1  }
0x38: {  	s1 =	ssub.s32 @!p0 $0x0, s1;
	[sflag:s0] =	ssyncset.done @!p0 $0x0  }
0x39: {  	[sflag:s0] =	ssyncadd.s32 @!p0 s1  }
0x3a: {  	[bflag:$0x3] =	sbarrier.arrive $0xFFFF  }
0x3b: {  	_ =	shalt  }

// kernel: kernel.13.cloned.1.call-start
scs
__scs_entry_jumppad:
0x0: {  	(pc) =	sbr.rel $0x88, $3  }
0x1: {  	(tag) =	ssettag $0x0;
	lr =	simm.s32 $0x1  }
0x2: {  	[smem:$0x3F96] =	sst lr;
	_ =	strace $0xD0000000  }
0x3: {  	_ = 	snop  }
0x4: {  	_ = 	snop  }
0x5: {  	_ = 	snop  }
0x6: {  	_ = 	snop  }
0x7: {  	_ = 	snop  }
__scs_overlays_trampoline_lowered:
0x8: {  	[smem:$0x3FA5] =	sst s0  }
0x9: {  	[smem:$0x3FA6] =	sst s1  }
0xa: {  	[smem:$0x3FA7] =	sst s2  }
0xb: {  	[smem:$0x3FA8] =	sst s3  }
0xc: {  	[smem:$0x3FA9] =	sst s4  }
0xd: {  	[smem:$0x3FAA] =	sst s5  }
0xe: {  	[smem:$0x3FAB] =	sst s6  }
0xf: {  	[smem:$0x3FAC] =	sst s7  }
0x10: {  	[smem:$0x3FAD] =	sst s8  }
0x11: {  	[smem:$0x3FAE] =	sst s9;
	s0 =	simm.s32 @!p0 $0x0  }
0x12: {  	s1 =	sld [smem:$0x3F94];
	s0 =	simm.s32 @p0 $0x1  }
0x13: {  	[smem:$0x3FAF] =	sst s0;
	s0 =	simm.s32 @!p1 $0x0  }
0x14: {  	s2 =	sld [smem:$0x3F93];
	s0 =	simm.s32 @p1 $0x1  }
0x15: {  	[smem:$0x3FB0] =	sst s0;
	s0 =	simm.s32 @!p2 $0x0  }
0x16: {  	s3 =	sld [smem:$0x3FDB];
	s0 =	simm.s32 @p2 $0x1  }
0x17: {  	s4 =	simm.s32 $0x1BF5;
	[smem:$0x3FB2] =	sst s0  }
0x18: {  	s0 =	sld [smem:$0x3F95];
	_ =	swait.ge [sflag:s4], $0x0  }
0x19: {  	s7 =	sld [smem:$0x3F96]  }
0x1a: {  	s8 =	sadd.s32 $0xFFFFE003, lr  }
0x1b: {  	s9 =	sadd.s32 $0xFFFFFEF7, lr;
	s5 =	simm.s32 $0xFFFFFFFF;
	p2 =	slt.u32 s8, $0xFFFFF086  }
0x1c: {  	p1 =	slt.u32 s9, $0xF7A;
	s5 =	simm.s32 @!p2 $0x0  }
0x1d: {  	s5 =	simm.s32 @p1 $0x1;
	p0 =	seq.s32 s7, s2  }
0x1e: {  	s7 =	smul.u32 @!p0 $0xF7A, s2;
	p2 =	seq.s32 @!p0 s5, $0x0  }
0x1f: {  	s9 =	smul.u32 $0xF7A, s1;
	s8 =	simm.s32 @!p0 $0x1BF5;
	p2 =	por !p2, p0  }
0x20: {  	[sflag:s8] =	ssyncset.s32 @!p0 $0xFFFFF086;
	s6 =	sadd.s32 @!p0 s3, s7;
	s7 =	simm.s32 @!p0 $0x108  }
0x21: {  	s3 =	sadd.s32 s3, s9;
	s6 =	sadd.s32 @!p0 $0x88, s6;
	s7 =	simm.s32 @p2 $0x1082  }
0x22: {  	[simem:s7], [sflag:s8] =	dma.local @!p0 [hbm:s6], $0xF7A  }
0x23: {  	s9 =	sor.u32 $0xD0000000, s2;
	s6 =	simm.s32 $0x108;
	_ =	swait.ge @!p0 [sflag:s8], $0x0  }
0x24: {  	s3 =	sadd.s32 $0x88, s3;
	s6 =	simm.s32 @!p1 $0x1082;
	[sflag:s4] =	ssyncset.s32 $0xFFFFF086  }
0x25: {  	[simem:s6], [sflag:s4] =	dma.local [hbm:s3], $0xF7A  }
0x26: {  	[smem:$0x3F96] =	sst s1;
	(tag) =	ssettag s2;
	_ =	strace s9  }
0x27: {  	s1 =	sld [smem:$0x3FA6]  }
0x28: {  	s2 =	sld [smem:$0x3FA7]  }
0x29: {  	s4 =	sld [smem:$0x3FA9]  }
0x2a: {  	p0 =	seq.s32 s5, $0x0;
	s5 =	sld [smem:$0x3FAA]  }
0x2b: {  	s6 =	sld [smem:$0x3FAB]  }
0x2c: {  	s7 =	sld [smem:$0x3FAC]  }
0x2d: {  	s3 =	simm.s32 $0x108;
	s8 =	sld [smem:$0x3FAD]  }
0x2e: {  	s3 =	simm.s32 @!p0 $0x1082;
	s9 =	sld [smem:$0x3FAE]  }
0x2f: {  	lr =	sadd.s32 s0, s3;
	s0 =	sld [smem:$0x3FA5]  }
0x30: {  	s3 =	sld [smem:$0x3FA8]  }
0x31: {  	[smem:$0x3FB1] =	sst s10  }
0x32: {  	s10 =	sld [smem:$0x3FAF];
	_ =	sdelay $0x3  }
0x33: {  	p0 =	seq.s32 s10, $0x1;
	s10 =	sld [smem:$0x3FB1];
	_ =	sdelay $0x3  }
0x34: {  	[smem:$0x3FB1] =	sst s10  }
0x35: {  	s10 =	sld [smem:$0x3FB0];
	_ =	sdelay $0x3  }
0x36: {  	p1 =	seq.s32 s10, $0x1;
	s10 =	sld [smem:$0x3FB1];
	_ =	sdelay $0x3  }
0x37: {  	[smem:$0x3FB1] =	sst s10  }
0x38: {  	s10 =	sld [smem:$0x3FB2]  }
0x39: {  	_ = 	snop;
	(pc) =	sbr.ind lr, $3  }
0x3a: {  	_ = 	snop  }
0x3b: {  	_ = 	snop  }
0x3c: {  	p2 =	seq.s32 s10, $0x1;
	s10 =	sld [smem:$0x3FB1]  }
0x3d: {  	_ =	shalt  }
0x3e: {  	_ =	shalt  }
0x3f: {  	_ =	shalt  }
0x40: {  	_ =	shalt  }
0x41: {  	_ =	shalt  }
0x42: {  	_ =	shalt  }
0x43: {  	_ =	shalt  }
0x44: {  	_ =	shalt  }
0x45: {  	_ =	shalt  }
0x46: {  	_ =	shalt  }
0x47: {  	_ =	shalt  }
0x48: {  	_ =	shalt  }
0x49: {  	_ =	shalt  }
0x4a: {  	_ =	shalt  }
0x4b: {  	_ =	shalt  }
0x4c: {  	_ =	shalt  }
0x4d: {  	_ =	shalt  }
0x4e: {  	_ =	shalt  }
0x4f: {  	_ =	shalt  }
0x50: {  	_ =	shalt  }
0x51: {  	_ =	shalt  }
0x52: {  	_ =	shalt  }
0x53: {  	_ =	shalt  }
0x54: {  	_ =	shalt  }
0x55: {  	_ =	shalt  }
0x56: {  	_ =	shalt  }
0x57: {  	_ =	shalt  }
0x58: {  	_ =	shalt  }
0x59: {  	_ =	shalt  }
0x5a: {  	_ =	shalt  }
0x5b: {  	_ =	shalt  }
0x5c: {  	_ =	shalt  }
0x5d: {  	_ =	shalt  }
0x5e: {  	_ =	shalt  }
0x5f: {  	_ =	shalt  }
0x60: {  	_ =	shalt  }
0x61: {  	_ =	shalt  }
0x62: {  	_ =	shalt  }
0x63: {  	_ =	shalt  }
0x64: {  	_ =	shalt  }
0x65: {  	_ =	shalt  }
0x66: {  	_ =	shalt  }
0x67: {  	_ =	shalt  }
0x68: {  	_ =	shalt  }
0x69: {  	_ =	shalt  }
0x6a: {  	_ =	shalt  }
0x6b: {  	_ =	shalt  }
0x6c: {  	_ =	shalt  }
0x6d: {  	_ =	shalt  }
0x6e: {  	_ =	shalt  }
0x6f: {  	_ =	shalt  }
0x70: {  	_ =	shalt  }
0x71: {  	_ =	shalt  }
0x72: {  	_ =	shalt  }
0x73: {  	_ =	shalt  }
0x74: {  	_ =	shalt  }
0x75: {  	_ =	shalt  }
0x76: {  	_ =	shalt  }
0x77: {  	_ =	shalt  }
0x78: {  	_ =	shalt  }
0x79: {  	_ =	shalt  }
0x7a: {  	_ =	shalt  }
0x7b: {  	_ =	shalt  }
0x7c: {  	_ =	shalt  }
0x7d: {  	_ =	shalt  }
0x7e: {  	_ =	shalt  }
0x7f: {  	_ =	shalt  }
0x80: {  	_ =	shalt  }
0x81: {  	_ =	shalt  }
0x82: {  	_ =	shalt  }
0x83: {  	_ =	shalt  }
0x84: {  	_ =	shalt  }
0x85: {  	_ =	shalt  }
0x86: {  	_ =	shalt  }
0x87: {  	_ =	shalt  }
.Lfunc_end0:
.L_simem_size_0:
called_computation.1_lowered:
.L_overlay_start_0:
0x88: {  	s2 =	sld [smem:$0x3FD9]  }
0x89: {  	s3 =	sld [smem:$0x3FFE];
	_ =	sdelay $0x1  }
0x8a: {  	s1 =	srdreg.scid  }
0x8b: {  	s0 =	sand.u32 $0x1, s1  }
0x8c: {  	s16 =	sshll.u32 s0, $0xA;
	s2 =	sadd.s32 s3, s2  }
0x8d: {  	s2 =	sadd.s32 s2, s16  }
0x8e: {  	[smem:$0x3FBD] =	sst s2  }
0x8f: {  	_ = 	snop  }
0x90: {  	(tm) =	ssettm $0x1  }
0x91: {  	s17 =	sld [smem:$0x3FFB];
	_ =	sdelay $0x3  }
0x92: {  	_ =	strace s17  }
0x93: {  	s2 =	sld [smem:$0x3FFC];
	_ =	sdelay $0x3  }
0x94: {  	_ =	strace s2  }
0x95: {  	s2 =	sld [smem:$0x3FFD];
	_ =	sdelay $0x3  }
0x96: {  	_ =	strace s2  }
0x97: {  	_ =	strace $0x8FFFFFFF  }
0x98: {  	s18 =	sld [smem:$0x3FDB];
	_ =	sdelay $0x1  }
0x99: {  	s19 =	simm.s32 $_scs_section_size  }
0x9a: {  	s4 =	simm.s32 $_size__tile_overlayer_lowered;
	s5 =	simm.s32 $_tile_overlayer_lowered  }
0x9b: {  	s22 =	simm.s32 $0x1BFF;
	s21 =	sshll.u32 s5, $0x1;
	s2 =	sadd.s32 s19, s18  }
0x9c: {  	s6 =	simm.s32 $0x0;
	s20 =	sshll.u32 s4, $0x1;
	s4 =	sadd.s32 s21, s2  }
0x9d: {  	[timem:s6], [sflag:s22] =	dma.local [hbm:s4], s20  }
0x9e: {  	_ =	swait.ge [sflag:s22], s20  }
0x9f: {  	s3 =	ssub.s32 $0x0, s20;
	[sflag:s22] =	ssyncset.done $0x0  }
0xa0: {  	[sflag:s22] =	ssyncadd.s32 s3;
	_ =	sdelay $0x1  }
0xa1: {  	s23 =	simm.s32 $0x1B8B  }
0xa2: {  	_ =	swait.ge [sflag:s23], $0x1  }
0xa3: {  	[sflag:s23] =	ssyncset.done $0x0  }
0xa4: {  	s25 =	simm.s32 $0x1B8E;
	s24 =	sld [smem:$0x3FFE];
	[sflag:s23] =	ssyncadd.s32 $0xFFFFFFFF  }
0xa5: {  	s26 =	simm.s32 $execute0_lowered;
	[smem:$0x3FD2] =	sst s25  }
0xa6: {  	s4 =	sshll.u32 s26, $0x1;
	_ =	strace $0x80000049;
	[dreg:$0x1] =	wrdreg $0xFFFFFFFF  }
0xa7: {  	s28 =	simm.s32 $_size_execute0_lowered;
	s2 =	sadd.s32 s2, s4;
	[dreg:$0x0] =	wrdreg $0x0  }
0xa8: {  	s4 =	sshll.u32 s28, $0x1;
	[dreg:$0x2] =	wrdreg s2  }
0xa9: {  	[dreg:$0x3] =	wrdreg s4  }
0xaa: {  	[dreg:$0x4] =	wrdreg $0xC0  }
0xab: {  	_ =	task [dreg:s6], $0x5FFFF  }
0xac: {  	[dreg:$0x1] =	wrdreg $0xFFFFFFFF  }
0xad: {  	[dreg:$0x0] =	wrdreg $0x60  }
0xae: {  	[dreg:$0x2] =	wrdreg s24  }
0xaf: {  	[dreg:$0x3] =	wrdreg $0x90000  }
0xb0: {  	[dreg:$0x4] =	wrdreg $0x9  }
0xb1: {  	_ =	task.clear_ibuf [dreg:s6], $0x5FFFF;
	_ =	strace $0x90000049  }
0xb2: {  	s29 =	simm.s32 $0x9;
	_ =	strace $0x8000004B  }
0xb3: {  	_ =	swait.ge [sflag:s29], $0x1  }
0xb4: {  	[sflag:s29] =	ssyncadd.s32 $0xFFFFFFFF  }
0xb5: {  	_ =	strace $0x9000004B  }
0xb6: {  	_ =	sfence  }
0xb7: {  	s30 =	sld [smem:$0x0];
	_ =	sdelay $0x2  }
0xb8: {  	s31 =	sshll.u32 s1, $0xD;
	s1 =	sshrl.u32 s1, $0x2  }
0xb9: {  	s3 =	sand.u32 $0x4000, s31;
	s1 =	sadd.s32 s1, s30  }
0xba: {  	s0 =	sor.u32 s3, s0;
	s1 =	sshll.u32 s1, $0x11  }
0xbb: {  	s0 =	sor.u32 s1, s0  }
0xbc: {  	s0 =	sadd.s32 $0x8F2B, s0  }
0xbd: {  	[sflag:s0] =	ssyncadd.remote.s32 $0x1  }
0xbe: {  	_ =	sfence.sel $0xFFFF  }
0xbf: {  	[dreg:$0x0] =	wrdreg $0xFFFFFFFF;
	(pc) =	sbr.abs _section_cstart, $3  }
0xc0: {  	[dreg:$0x1] =	wrdreg $0xFFFFFFFF  }
0xc1: {  	_ =	task.clear_ibuf [dreg:s6], $0x2FFFF;
	_ =	strace $0x9FFFFFFF  }
0xc2: {  	(tm) =	ssettm $0x7FFFFFFF  }
0xc3: {  	_ =	shalt  }
tec
execute0_lowered:
.L_overlay_start_1:
0x0: {  	(tag) =	ssettag $0x1  }
0x1: {  	s0 =	srdreg.scid;
	s5 =	rddreg [dreg:$0x0]  }
0x2: {  	s1 =	rddreg [dreg:$0x1];
	s10 =	stileid.u32  }
0x3: {  	s2 =	simm.s32 $0x0;
	s14 =	simm.s32 $0x3;
	s15 =	simm.s32 $0x4  }
0x4: {  	s6 =	sand.u32 $0x1, s0;
	s0 =	rddreg [dreg:$0x2];
	s8 =	smul.u32 $0x4F000, s10  }
0x5: {  	s16 =	simm.s32 $0x0;
	[smem:$0x7FF] =	sst s2;
	s12 =	smul.u32 $0x13C00, s10  }
0x6: {  	s13 =	sadd.s32 $0x7E000, s5;
	s30 =	sshll.u32 s10, $0x6;
	p0 =	sne.s32 s10, $0x0  }
0x7: {  	s3 =	sshll.u32 s6, $0x4;
	_ =	strace $0x8000004A;
	s9 =	ssub.s32 $0x2, s6  }
0x8: {  	s6 =	smul.u32 $0x140000, s6;
	s3 =	sor.u32 s10, s3;
	s11 =	sshrl.u32 s9, $0x1  }
0x9: {  	s8 =	sshrl.u32 s8, $0x2;
	s4 =	smul.u32 $0xA00, s3;
	s3 =	sadd.s32 $0x3800, s5  }
0xa: {  	s9 =	ssub.s32 s9, s11;
	s29 =	sadd.s32 s8, s1;
	s31 =	sshrl.u32 s6, $0x3  }
.Ltmp0:
0xb: {  	s6 =	sadd.s32 s12, s6;
	s11 =	simm.s32 $0x5;
	(pc) =	sbr.rel .LBB2_1-.Ltmp0, $4  }
0xc: {  	s8 =	sadd.s32 s13, s31;
	s12 =	sshrl.u32 s6, $0x3;
	s9 =	smax.u32 s9, $0x1  }
0xd: {  	s10 =	sshrl.u32 s29, $0x3;
	s7 =	sadd.s32 s4, s5;
	s4 =	sadd.s32 $0x2B800, s5  }
0xe: {  	s5 =	sor.u32 $0x1C05, s30;
	s6 =	sadd.s32 $0x6A000, s7;
	s7 =	sadd.s32 $0x27800, s8  }
0xf: {  	s8 =	sadd.s32 s13, s12;
	s12 =	simm.s32 $0x5000;
	s13 =	simm.s32 $0x40  }
.LBB2_7:
0x10: {  	_ =	swait.ge [sflag:s14], $0x2000  }
0x11: {  	[sflag:s14] =	ssyncset.done $0x0  }
0x12: {  	[sflag:s14] =	ssyncadd.s32 $0xFFFFE000  }
0x13: {  	_ =	swait.ge [sflag:s15], $0x2000  }
0x14: {  	s16 =	sadd.s32 $0x1, s16;
	[sflag:s15] =	ssyncset.done $0x0  }
0x15: {  	p1 =	sne.s32 s16, s9;
	[sflag:s15] =	ssyncadd.s32 $0xFFFFE000  }
.Ltmp1:
0x16: {  	[bflag:$0x0] =	sbarrier.arrive $0xFFFF;
	(pc) =	sbr.rel @!p1 .LBB2_8-.Ltmp1, $4  }
0x17: {  	[hbm:s8], [sflag:s5] =	dma.local [spmem:s10], $0x2780  }
0x18: {  	_ =	swait.ge [sflag:s11], $0x2780  }
0x19: {  	[sflag:s11] =	ssyncset.done $0x0  }
0x1a: {  	[sflag:s11] =	ssyncadd.s32 $0xFFFFD880  }
.LBB2_1:
0x1b: {  	[spmem:s10], [sflag:s5] =	dma.local [hbm:s4], $0x2780  }
0x1c: {  	_ =	swait.ge [sflag:s11], $0x2780  }
0x1d: {  	[sflag:s11] =	ssyncset.done $0x0  }
0x1e: {  	[sflag:s11] =	ssyncadd.s32 $0xFFFFD880  }
0x1f: {  	[tilespmem:s2], [sflag:$0x5] =	stream.linear.gather [hbm4b:s6+s2], $0x5000, $0x38;
	[tilespmem:$0x1CC00] =	vst v63  }
0x20: {  	_ =	swait.ge [sflag:s11], $0x5000  }
0x21: {  	[sflag:s11] =	ssyncset.done $0x0  }
0x22: {  	s17 =	simm.s32 @!p0 $0x5;
	[sflag:s11] =	ssyncadd.s32 $0xFFFFB000  }
0x23: {  	[hbm:s7], [sflag:s5] =	dma.local @!p0 [hbm:s4], $0x800  }
.Ltmp2:
0x24: {  	_ =	swait.ge @!p0 [sflag:s17], $0x800;
	(pc) =	sbr.rel .LBB2_2-.Ltmp2, $4  }
0x25: {  	[sflag:s17] =	ssyncset.done @!p0 $0x0  }
0x26: {  	[sflag:s17] =	ssyncadd.s32 @!p0 $0xFFFFF800  }
0x27: {  	s18 =	simm.s32 $0x40;
	s17 =	simm.s32 $0x1;
	[bflag:$0x0] =	sbarrier.arrive $0xFFFF  }
0x28: {  	[tilespmem:s12], [sflag:$0x1] =	stream.indirect.gather [hbm4b:s3+s13], $0x80, s2, s13, $0xb8;
	[tilespmem:$0x1CC00] =	vst v63  }
.LBB2_5:
0x29: {  	s21 =	sshll.u32 s20, $0xD  }
0x2a: {  	s22 =	sadd.s32 $0x40, s18;
	s31 =	sadd.s32 $0x1, s20;
	s21 =	sor.u32 $0x5000, s21  }
0x2b: {  	[tilespmem:s21], [sflag:s31] =	stream.indirect.gather [hbm4b:s3+s13], $0x80, s22, s13, $0xb8;
	[tilespmem:$0x1CC00] =	vst v63  }
.LBB2_6:
0x2c: {  	s19 =	sand.u32 $0x1, s19;
	s17 =	sadd.s32 $0x1, s17  }
0x2d: {  	s20 =	sadd.s32 $0x1, s19;
	p1 =	sne.s32 s17, $0xA1  }
.Ltmp3:
0x2e: {  	_ =	swait.ge [sflag:s20], $0x2000;
	(pc) =	sbr.rel @!p1 .LBB2_7-.Ltmp3, $4  }
0x2f: {  	s21 =	sshll.u32 s19, $0xD;
	[sflag:s20] =	ssyncset.done $0x0  }
0x30: {  	s19 =	sadd.s32 $0x3, s19;
	s21 =	sor.u32 $0x5000, s21;
	[sflag:s20] =	ssyncadd.s32 $0xFFFFE000  }
0x31: {  	[spmem:s1] =	stream.indirect.scatter.add.f32 [tilespmem:s21], [sflag:s19], $0x80, s18, s13, $0xb8;
	[tilespmem:$0x1CC00] =	vst v63  }
0x32: {  	s18 =	sadd.s32 $0x80, s18  }
.LBB2_2:
0x33: {  	s19 =	sadd.s32 $0xFFFFFFFF, s17  }
0x34: {  	p1 =	seq.s32 s19, $0x0  }
.Ltmp4:
0x35: {  	_ = 	snop;
	(pc) =	sbr.rel @p1 .LBB2_5-.Ltmp4, $2  }
0x36: {  	_ =	sdelay $0x2  }
0x37: {  	s20 =	sand.u32 $0x1, s17  }
0x38: {  	p1 =	seq.s32 s19, $0x9F  }
.Ltmp5:
0x39: {  	_ = 	snop;
	(pc) =	sbr.rel @p1 .LBB2_6-.Ltmp5, $1  }
0x3a: {  	_ =	sdelay $0x3  }
.Ltmp6:
0x3b: {  	(pc) =	sbr.rel .LBB2_5-.Ltmp6, $4  }
0x3c: {  	s21 =	sadd.s32 $0x3, s20  }
0x3d: {  	_ =	swait.ge [sflag:s21], $0x2000  }
0x3e: {  	[sflag:s21] =	ssyncset.done $0x0  }
0x3f: {  	[sflag:s21] =	ssyncadd.s32 $0xFFFFE000  }
.LBB2_8:
0x40: {  	_ =	sfence.sel $0x180000  }
0x41: {  	[bflag:$0x0] =	sbarrier.arrive $0xFFFF  }
0x42: {  	_ =	strace $0x9000004A  }
0x43: {  	s0 =	sadd.s32 @!p0 $0x100000, s0;
	[bflag:$0x2] =	sbarrier.arrive $0xFFFF  }
0x44: {  	[sflag:s0] =	ssyncadd.tile.s32 @!p0 $0x1;
	_ =	shalt  }
.Lfunc_end2:
_tile_overlayer_lowered:
.L_overlay_start_2:
0x45: {  	(tag) =	ssettag $0x2  }
0x46: {  	s0 =	rddreg [dreg:$0x0];
	s2 =	stileid.u32  }
0x47: {  	s1 =	rddreg [dreg:$0x1];
	p0 =	sne.s32 s2, $0x0  }
0x48: {  	s3 =	rddreg [dreg:$0x2];
	[bflag:$0x3] =	sbarrier.arrive $0xFFFF;
	s2 =	simm.s32 @!p0 $0x1C05  }
0x49: {  	[timem:s3], [sflag:s2] =	dma.local @!p0 [hbm:s0], s1  }
0x4a: {  	s0 =	simm.s32 @!p0 $0x5  }
0x4b: {  	_ =	swait.ge @!p0 [sflag:s0], s1  }
0x4c: {  	s1 =	ssub.s32 @!p0 $0x0, s1;
	[sflag:s0] =	ssyncset.done @!p0 $0x0  }
0x4d: {  	[sflag:s0] =	ssyncadd.s32 @!p0 s1  }
0x4e: {  	[bflag:$0x3] =	sbarrier.arrive $0xFFFF  }
0x4f: {  	_ =	shalt  }

// kernel: kernel.16.cloned.1.call-start
scs
__scs_entry_jumppad:
0x0: {  	(pc) =	sbr.rel $0x88, $3  }
0x1: {  	(tag) =	ssettag $0x0;
	lr =	simm.s32 $0x1  }
0x2: {  	[smem:$0x3F96] =	sst lr;
	_ =	strace $0xD0000000  }
0x3: {  	_ = 	snop  }
0x4: {  	_ = 	snop  }
0x5: {  	_ = 	snop  }
0x6: {  	_ = 	snop  }
0x7: {  	_ = 	snop  }
__scs_overlays_trampoline_lowered:
0x8: {  	[smem:$0x3FA5] =	sst s0  }
0x9: {  	[smem:$0x3FA6] =	sst s1  }
0xa: {  	[smem:$0x3FA7] =	sst s2  }
0xb: {  	[smem:$0x3FA8] =	sst s3  }
0xc: {  	[smem:$0x3FA9] =	sst s4  }
0xd: {  	[smem:$0x3FAA] =	sst s5  }
0xe: {  	[smem:$0x3FAB] =	sst s6  }
0xf: {  	[smem:$0x3FAC] =	sst s7  }
0x10: {  	[smem:$0x3FAD] =	sst s8  }
0x11: {  	[smem:$0x3FAE] =	sst s9;
	s0 =	simm.s32 @!p0 $0x0  }
0x12: {  	s1 =	sld [smem:$0x3F94];
	s0 =	simm.s32 @p0 $0x1  }
0x13: {  	[smem:$0x3FAF] =	sst s0;
	s0 =	simm.s32 @!p1 $0x0  }
0x14: {  	s2 =	sld [smem:$0x3F93];
	s0 =	simm.s32 @p1 $0x1  }
0x15: {  	[smem:$0x3FB0] =	sst s0;
	s0 =	simm.s32 @!p2 $0x0  }
0x16: {  	s3 =	sld [smem:$0x3FDB];
	s0 =	simm.s32 @p2 $0x1  }
0x17: {  	s4 =	simm.s32 $0x1BF5;
	[smem:$0x3FB2] =	sst s0  }
0x18: {  	s0 =	sld [smem:$0x3F95];
	_ =	swait.ge [sflag:s4], $0x0  }
0x19: {  	s7 =	sld [smem:$0x3F96]  }
0x1a: {  	s8 =	sadd.s32 $0xFFFFE003, lr  }
0x1b: {  	s9 =	sadd.s32 $0xFFFFFEF7, lr;
	s5 =	simm.s32 $0xFFFFFFFF;
	p2 =	slt.u32 s8, $0xFFFFF086  }
0x1c: {  	p1 =	slt.u32 s9, $0xF7A;
	s5 =	simm.s32 @!p2 $0x0  }
0x1d: {  	s5 =	simm.s32 @p1 $0x1;
	p0 =	seq.s32 s7, s2  }
0x1e: {  	s7 =	smul.u32 @!p0 $0xF7A, s2;
	p2 =	seq.s32 @!p0 s5, $0x0  }
0x1f: {  	s9 =	smul.u32 $0xF7A, s1;
	s8 =	simm.s32 @!p0 $0x1BF5;
	p2 =	por !p2, p0  }
0x20: {  	[sflag:s8] =	ssyncset.s32 @!p0 $0xFFFFF086;
	s6 =	sadd.s32 @!p0 s3, s7;
	s7 =	simm.s32 @!p0 $0x108  }
0x21: {  	s3 =	sadd.s32 s3, s9;
	s6 =	sadd.s32 @!p0 $0x88, s6;
	s7 =	simm.s32 @p2 $0x1082  }
0x22: {  	[simem:s7], [sflag:s8] =	dma.local @!p0 [hbm:s6], $0xF7A  }
0x23: {  	s9 =	sor.u32 $0xD0000000, s2;
	s6 =	simm.s32 $0x108;
	_ =	swait.ge @!p0 [sflag:s8], $0x0  }
0x24: {  	s3 =	sadd.s32 $0x88, s3;
	s6 =	simm.s32 @!p1 $0x1082;
	[sflag:s4] =	ssyncset.s32 $0xFFFFF086  }
0x25: {  	[simem:s6], [sflag:s4] =	dma.local [hbm:s3], $0xF7A  }
0x26: {  	[smem:$0x3F96] =	sst s1;
	(tag) =	ssettag s2;
	_ =	strace s9  }
0x27: {  	s1 =	sld [smem:$0x3FA6]  }
0x28: {  	s2 =	sld [smem:$0x3FA7]  }
0x29: {  	s4 =	sld [smem:$0x3FA9]  }
0x2a: {  	p0 =	seq.s32 s5, $0x0;
	s5 =	sld [smem:$0x3FAA]  }
0x2b: {  	s6 =	sld [smem:$0x3FAB]  }
0x2c: {  	s7 =	sld [smem:$0x3FAC]  }
0x2d: {  	s3 =	simm.s32 $0x108;
	s8 =	sld [smem:$0x3FAD]  }
0x2e: {  	s3 =	simm.s32 @!p0 $0x1082;
	s9 =	sld [smem:$0x3FAE]  }
0x2f: {  	lr =	sadd.s32 s0, s3;
	s0 =	sld [smem:$0x3FA5]  }
0x30: {  	s3 =	sld [smem:$0x3FA8]  }
0x31: {  	[smem:$0x3FB1] =	sst s10  }
0x32: {  	s10 =	sld [smem:$0x3FAF];
	_ =	sdelay $0x3  }
0x33: {  	p0 =	seq.s32 s10, $0x1;
	s10 =	sld [smem:$0x3FB1];
	_ =	sdelay $0x3  }
0x34: {  	[smem:$0x3FB1] =	sst s10  }
0x35: {  	s10 =	sld [smem:$0x3FB0];
	_ =	sdelay $0x3  }
0x36: {  	p1 =	seq.s32 s10, $0x1;
	s10 =	sld [smem:$0x3FB1];
	_ =	sdelay $0x3  }
0x37: {  	[smem:$0x3FB1] =	sst s10  }
0x38: {  	s10 =	sld [smem:$0x3FB2]  }
0x39: {  	_ = 	snop;
	(pc) =	sbr.ind lr, $3  }
0x3a: {  	_ = 	snop  }
0x3b: {  	_ = 	snop  }
0x3c: {  	p2 =	seq.s32 s10, $0x1;
	s10 =	sld [smem:$0x3FB1]  }
0x3d: {  	_ =	shalt  }
0x3e: {  	_ =	shalt  }
0x3f: {  	_ =	shalt  }
0x40: {  	_ =	shalt  }
0x41: {  	_ =	shalt  }
0x42: {  	_ =	shalt  }
0x43: {  	_ =	shalt  }
0x44: {  	_ =	shalt  }
0x45: {  	_ =	shalt  }
0x46: {  	_ =	shalt  }
0x47: {  	_ =	shalt  }
0x48: {  	_ =	shalt  }
0x49: {  	_ =	shalt  }
0x4a: {  	_ =	shalt  }
0x4b: {  	_ =	shalt  }
0x4c: {  	_ =	shalt  }
0x4d: {  	_ =	shalt  }
0x4e: {  	_ =	shalt  }
0x4f: {  	_ =	shalt  }
0x50: {  	_ =	shalt  }
0x51: {  	_ =	shalt  }
0x52: {  	_ =	shalt  }
0x53: {  	_ =	shalt  }
0x54: {  	_ =	shalt  }
0x55: {  	_ =	shalt  }
0x56: {  	_ =	shalt  }
0x57: {  	_ =	shalt  }
0x58: {  	_ =	shalt  }
0x59: {  	_ =	shalt  }
0x5a: {  	_ =	shalt  }
0x5b: {  	_ =	shalt  }
0x5c: {  	_ =	shalt  }
0x5d: {  	_ =	shalt  }
0x5e: {  	_ =	shalt  }
0x5f: {  	_ =	shalt  }
0x60: {  	_ =	shalt  }
0x61: {  	_ =	shalt  }
0x62: {  	_ =	shalt  }
0x63: {  	_ =	shalt  }
0x64: {  	_ =	shalt  }
0x65: {  	_ =	shalt  }
0x66: {  	_ =	shalt  }
0x67: {  	_ =	shalt  }
0x68: {  	_ =	shalt  }
0x69: {  	_ =	shalt  }
0x6a: {  	_ =	shalt  }
0x6b: {  	_ =	shalt  }
0x6c: {  	_ =	shalt  }
0x6d: {  	_ =	shalt  }
0x6e: {  	_ =	shalt  }
0x6f: {  	_ =	shalt  }
0x70: {  	_ =	shalt  }
0x71: {  	_ =	shalt  }
0x72: {  	_ =	shalt  }
0x73: {  	_ =	shalt  }
0x74: {  	_ =	shalt  }
0x75: {  	_ =	shalt  }
0x76: {  	_ =	shalt  }
0x77: {  	_ =	shalt  }
0x78: {  	_ =	shalt  }
0x79: {  	_ =	shalt  }
0x7a: {  	_ =	shalt  }
0x7b: {  	_ =	shalt  }
0x7c: {  	_ =	shalt  }
0x7d: {  	_ =	shalt  }
0x7e: {  	_ =	shalt  }
0x7f: {  	_ =	shalt  }
0x80: {  	_ =	shalt  }
0x81: {  	_ =	shalt  }
0x82: {  	_ =	shalt  }
0x83: {  	_ =	shalt  }
0x84: {  	_ =	shalt  }
0x85: {  	_ =	shalt  }
0x86: {  	_ =	shalt  }
0x87: {  	_ =	shalt  }
.Lfunc_end0:
.L_simem_size_0:
called_computation.2_lowered:
.L_overlay_start_0:
0x88: {  	s2 =	sld [smem:$0x3FD9]  }
0x89: {  	s3 =	sld [smem:$0x3FFE];
	_ =	sdelay $0x1  }
0x8a: {  	s1 =	srdreg.scid  }
0x8b: {  	s0 =	sand.u32 $0x1, s1  }
0x8c: {  	s16 =	sshll.u32 s0, $0xA;
	s2 =	sadd.s32 s3, s2  }
0x8d: {  	s2 =	sadd.s32 s2, s16  }
0x8e: {  	[smem:$0x3FBD] =	sst s2  }
0x8f: {  	_ = 	snop  }
0x90: {  	(tm) =	ssettm $0x1  }
0x91: {  	s17 =	sld [smem:$0x3FFB];
	_ =	sdelay $0x3  }
0x92: {  	_ =	strace s17  }
0x93: {  	s2 =	sld [smem:$0x3FFC];
	_ =	sdelay $0x3  }
0x94: {  	_ =	strace s2  }
0x95: {  	s2 =	sld [smem:$0x3FFD];
	_ =	sdelay $0x3  }
0x96: {  	_ =	strace s2  }
0x97: {  	_ =	strace $0x8FFFFFFF  }
0x98: {  	s18 =	sld [smem:$0x3FDB];
	_ =	sdelay $0x1  }
0x99: {  	s19 =	simm.s32 $_scs_section_size  }
0x9a: {  	s4 =	simm.s32 $_size__tile_overlayer_lowered;
	s5 =	simm.s32 $_tile_overlayer_lowered  }
0x9b: {  	s22 =	simm.s32 $0x1BFF;
	s21 =	sshll.u32 s5, $0x1;
	s2 =	sadd.s32 s19, s18  }
0x9c: {  	s6 =	simm.s32 $0x0;
	s20 =	sshll.u32 s4, $0x1;
	s4 =	sadd.s32 s21, s2  }
0x9d: {  	[timem:s6], [sflag:s22] =	dma.local [hbm:s4], s20  }
0x9e: {  	_ =	swait.ge [sflag:s22], s20  }
0x9f: {  	s3 =	ssub.s32 $0x0, s20;
	[sflag:s22] =	ssyncset.done $0x0  }
0xa0: {  	[sflag:s22] =	ssyncadd.s32 s3;
	_ =	sdelay $0x1  }
0xa1: {  	s23 =	simm.s32 $0x1B8B  }
0xa2: {  	_ =	swait.ge [sflag:s23], $0x1  }
0xa3: {  	[sflag:s23] =	ssyncset.done $0x0  }
0xa4: {  	s25 =	simm.s32 $0x1B8E;
	s24 =	sld [smem:$0x3FFE];
	[sflag:s23] =	ssyncadd.s32 $0xFFFFFFFF  }
0xa5: {  	s26 =	simm.s32 $execute0_lowered;
	[smem:$0x3FD2] =	sst s25  }
0xa6: {  	s4 =	sshll.u32 s26, $0x1;
	_ =	strace $0x8000004C;
	[dreg:$0x1] =	wrdreg $0xFFFFFFFF  }
0xa7: {  	s28 =	simm.s32 $_size_execute0_lowered;
	s2 =	sadd.s32 s2, s4;
	[dreg:$0x0] =	wrdreg $0x0  }
0xa8: {  	s4 =	sshll.u32 s28, $0x1;
	[dreg:$0x2] =	wrdreg s2  }
0xa9: {  	[dreg:$0x3] =	wrdreg s4  }
0xaa: {  	[dreg:$0x4] =	wrdreg $0xC0  }
0xab: {  	_ =	task [dreg:s6], $0x5FFFF  }
0xac: {  	[dreg:$0x1] =	wrdreg $0xFFFFFFFF  }
0xad: {  	[dreg:$0x0] =	wrdreg $0x60  }
0xae: {  	[dreg:$0x2] =	wrdreg s24  }
0xaf: {  	[dreg:$0x3] =	wrdreg $0x90000  }
0xb0: {  	[dreg:$0x4] =	wrdreg $0x9  }
0xb1: {  	_ =	task.clear_ibuf [dreg:s6], $0x5FFFF;
	_ =	strace $0x9000004C  }
0xb2: {  	s29 =	simm.s32 $0x9;
	_ =	strace $0x8000004E  }
0xb3: {  	_ =	swait.ge [sflag:s29], $0x1  }
0xb4: {  	[sflag:s29] =	ssyncadd.s32 $0xFFFFFFFF  }
0xb5: {  	_ =	strace $0x9000004E  }
0xb6: {  	_ =	sfence  }
0xb7: {  	s30 =	sld [smem:$0x0];
	_ =	sdelay $0x2  }
0xb8: {  	s31 =	sshll.u32 s1, $0xD;
	s1 =	sshrl.u32 s1, $0x2  }
0xb9: {  	s3 =	sand.u32 $0x4000, s31;
	s1 =	sadd.s32 s1, s30  }
0xba: {  	s0 =	sor.u32 s3, s0;
	s1 =	sshll.u32 s1, $0x11  }
0xbb: {  	s0 =	sor.u32 s1, s0  }
0xbc: {  	s0 =	sadd.s32 $0x8F2B, s0  }
0xbd: {  	[sflag:s0] =	ssyncadd.remote.s32 $0x1  }
0xbe: {  	_ =	sfence.sel $0xFFFF  }
0xbf: {  	[dreg:$0x0] =	wrdreg $0xFFFFFFFF;
	(pc) =	sbr.abs _section_cstart, $3  }
0xc0: {  	[dreg:$0x1] =	wrdreg $0xFFFFFFFF  }
0xc1: {  	_ =	task.clear_ibuf [dreg:s6], $0x2FFFF;
	_ =	strace $0x9FFFFFFF  }
0xc2: {  	(tm) =	ssettm $0x7FFFFFFF  }
0xc3: {  	_ =	shalt  }
tec
execute0_lowered:
.L_overlay_start_1:
0x0: {  	(tag) =	ssettag $0x1  }
0x1: {  	s0 =	srdreg.scid;
	s5 =	rddreg [dreg:$0x0]  }
0x2: {  	s1 =	rddreg [dreg:$0x1];
	s10 =	stileid.u32  }
0x3: {  	s2 =	simm.s32 $0x0;
	s14 =	simm.s32 $0x3;
	s15 =	simm.s32 $0x4  }
0x4: {  	s6 =	sand.u32 $0x1, s0;
	s0 =	rddreg [dreg:$0x2];
	s8 =	smul.u32 $0x4F000, s10  }
0x5: {  	s16 =	simm.s32 $0x0;
	[smem:$0x7FF] =	sst s2;
	s12 =	smul.u32 $0x13C00, s10  }
0x6: {  	s13 =	sadd.s32 $0x7E000, s5;
	s30 =	sshll.u32 s10, $0x6;
	p0 =	sne.s32 s10, $0x0  }
0x7: {  	s3 =	sshll.u32 s6, $0x4;
	_ =	strace $0x8000004D;
	s9 =	ssub.s32 $0x2, s6  }
0x8: {  	s6 =	smul.u32 $0x140000, s6;
	s3 =	sor.u32 s10, s3;
	s11 =	sshrl.u32 s9, $0x1  }
0x9: {  	s8 =	sshrl.u32 s8, $0x2;
	s4 =	smul.u32 $0xA00, s3;
	s3 =	sadd.s32 $0x3800, s5  }
0xa: {  	s9 =	ssub.s32 s9, s11;
	s29 =	sadd.s32 s8, s1;
	s31 =	sshrl.u32 s6, $0x3  }
.Ltmp0:
0xb: {  	s6 =	sadd.s32 s12, s6;
	s11 =	simm.s32 $0x5;
	(pc) =	sbr.rel .LBB2_1-.Ltmp0, $4  }
0xc: {  	s8 =	sadd.s32 s13, s31;
	s12 =	sshrl.u32 s6, $0x3;
	s9 =	smax.u32 s9, $0x1  }
0xd: {  	s10 =	sshrl.u32 s29, $0x3;
	s7 =	sadd.s32 s4, s5;
	s4 =	sadd.s32 $0x2B800, s5  }
0xe: {  	s5 =	sor.u32 $0x1C05, s30;
	s6 =	sadd.s32 $0x6A000, s7;
	s7 =	sadd.s32 $0x27800, s8  }
0xf: {  	s8 =	sadd.s32 s13, s12;
	s12 =	simm.s32 $0x5000;
	s13 =	simm.s32 $0x40  }
.LBB2_7:
0x10: {  	_ =	swait.ge [sflag:s14], $0x2000  }
0x11: {  	[sflag:s14] =	ssyncset.done $0x0  }
0x12: {  	[sflag:s14] =	ssyncadd.s32 $0xFFFFE000  }
0x13: {  	_ =	swait.ge [sflag:s15], $0x2000  }
0x14: {  	s16 =	sadd.s32 $0x1, s16;
	[sflag:s15] =	ssyncset.done $0x0  }
0x15: {  	p1 =	sne.s32 s16, s9;
	[sflag:s15] =	ssyncadd.s32 $0xFFFFE000  }
.Ltmp1:
0x16: {  	[bflag:$0x0] =	sbarrier.arrive $0xFFFF;
	(pc) =	sbr.rel @!p1 .LBB2_8-.Ltmp1, $4  }
0x17: {  	[hbm:s8], [sflag:s5] =	dma.local [spmem:s10], $0x2780  }
0x18: {  	_ =	swait.ge [sflag:s11], $0x2780  }
0x19: {  	[sflag:s11] =	ssyncset.done $0x0  }
0x1a: {  	[sflag:s11] =	ssyncadd.s32 $0xFFFFD880  }
.LBB2_1:
0x1b: {  	[spmem:s10], [sflag:s5] =	dma.local [hbm:s4], $0x2780  }
0x1c: {  	_ =	swait.ge [sflag:s11], $0x2780  }
0x1d: {  	[sflag:s11] =	ssyncset.done $0x0  }
0x1e: {  	[sflag:s11] =	ssyncadd.s32 $0xFFFFD880  }
0x1f: {  	[tilespmem:s2], [sflag:$0x5] =	stream.linear.gather [hbm4b:s6+s2], $0x5000, $0x38;
	[tilespmem:$0x1CC00] =	vst v63  }
0x20: {  	_ =	swait.ge [sflag:s11], $0x5000  }
0x21: {  	[sflag:s11] =	ssyncset.done $0x0  }
0x22: {  	s17 =	simm.s32 @!p0 $0x5;
	[sflag:s11] =	ssyncadd.s32 $0xFFFFB000  }
0x23: {  	[hbm:s7], [sflag:s5] =	dma.local @!p0 [hbm:s4], $0x800  }
.Ltmp2:
0x24: {  	_ =	swait.ge @!p0 [sflag:s17], $0x800;
	(pc) =	sbr.rel .LBB2_2-.Ltmp2, $4  }
0x25: {  	[sflag:s17] =	ssyncset.done @!p0 $0x0  }
0x26: {  	[sflag:s17] =	ssyncadd.s32 @!p0 $0xFFFFF800  }
0x27: {  	s18 =	simm.s32 $0x40;
	s17 =	simm.s32 $0x1;
	[bflag:$0x0] =	sbarrier.arrive $0xFFFF  }
0x28: {  	[tilespmem:s12], [sflag:$0x1] =	stream.indirect.gather [hbm4b:s3+s13], $0x80, s2, s13, $0xb8;
	[tilespmem:$0x1CC00] =	vst v63  }
.LBB2_5:
0x29: {  	s21 =	sshll.u32 s20, $0xD  }
0x2a: {  	s22 =	sadd.s32 $0x40, s18;
	s31 =	sadd.s32 $0x1, s20;
	s21 =	sor.u32 $0x5000, s21  }
0x2b: {  	[tilespmem:s21], [sflag:s31] =	stream.indirect.gather [hbm4b:s3+s13], $0x80, s22, s13, $0xb8;
	[tilespmem:$0x1CC00] =	vst v63  }
.LBB2_6:
0x2c: {  	s19 =	sand.u32 $0x1, s19;
	s17 =	sadd.s32 $0x1, s17  }
0x2d: {  	s20 =	sadd.s32 $0x1, s19;
	p1 =	sne.s32 s17, $0xA1  }
.Ltmp3:
0x2e: {  	_ =	swait.ge [sflag:s20], $0x2000;
	(pc) =	sbr.rel @!p1 .LBB2_7-.Ltmp3, $4  }
0x2f: {  	s21 =	sshll.u32 s19, $0xD;
	[sflag:s20] =	ssyncset.done $0x0  }
0x30: {  	s19 =	sadd.s32 $0x3, s19;
	s21 =	sor.u32 $0x5000, s21;
	[sflag:s20] =	ssyncadd.s32 $0xFFFFE000  }
0x31: {  	[spmem:s1] =	stream.indirect.scatter.add.f32 [tilespmem:s21], [sflag:s19], $0x80, s18, s13, $0xb8;
	[tilespmem:$0x1CC00] =	vst v63  }
0x32: {  	s18 =	sadd.s32 $0x80, s18  }
.LBB2_2:
0x33: {  	s19 =	sadd.s32 $0xFFFFFFFF, s17  }
0x34: {  	p1 =	seq.s32 s19, $0x0  }
.Ltmp4:
0x35: {  	_ = 	snop;
	(pc) =	sbr.rel @p1 .LBB2_5-.Ltmp4, $2  }
0x36: {  	_ =	sdelay $0x2  }
0x37: {  	s20 =	sand.u32 $0x1, s17  }
0x38: {  	p1 =	seq.s32 s19, $0x9F  }
.Ltmp5:
0x39: {  	_ = 	snop;
	(pc) =	sbr.rel @p1 .LBB2_6-.Ltmp5, $1  }
0x3a: {  	_ =	sdelay $0x3  }
.Ltmp6:
0x3b: {  	(pc) =	sbr.rel .LBB2_5-.Ltmp6, $4  }
0x3c: {  	s21 =	sadd.s32 $0x3, s20  }
0x3d: {  	_ =	swait.ge [sflag:s21], $0x2000  }
0x3e: {  	[sflag:s21] =	ssyncset.done $0x0  }
0x3f: {  	[sflag:s21] =	ssyncadd.s32 $0xFFFFE000  }
.LBB2_8:
0x40: {  	_ =	sfence.sel $0x180000  }
0x41: {  	[bflag:$0x0] =	sbarrier.arrive $0xFFFF  }
0x42: {  	_ =	strace $0x9000004D  }
0x43: {  	s0 =	sadd.s32 @!p0 $0x100000, s0;
	[bflag:$0x2] =	sbarrier.arrive $0xFFFF  }
0x44: {  	[sflag:s0] =	ssyncadd.tile.s32 @!p0 $0x1;
	_ =	shalt  }
.Lfunc_end2:
_tile_overlayer_lowered:
.L_overlay_start_2:
0x45: {  	(tag) =	ssettag $0x2  }
0x46: {  	s0 =	rddreg [dreg:$0x0];
	s2 =	stileid.u32  }
0x47: {  	s1 =	rddreg [dreg:$0x1];
	p0 =	sne.s32 s2, $0x0  }
0x48: {  	s3 =	rddreg [dreg:$0x2];
	[bflag:$0x3] =	sbarrier.arrive $0xFFFF;
	s2 =	simm.s32 @!p0 $0x1C05  }
0x49: {  	[timem:s3], [sflag:s2] =	dma.local @!p0 [hbm:s0], s1  }
0x4a: {  	s0 =	simm.s32 @!p0 $0x5  }
0x4b: {  	_ =	swait.ge @!p0 [sflag:s0], s1  }
0x4c: {  	s1 =	ssub.s32 @!p0 $0x0, s1;
	[sflag:s0] =	ssyncset.done @!p0 $0x0  }
0x4d: {  	[sflag:s0] =	ssyncadd.s32 @!p0 s1  }
0x4e: {  	[bflag:$0x3] =	sbarrier.arrive $0xFFFF  }
0x4f: {  	_ =	shalt  }

// kernel: kernel.19.cloned.1.call-start
scs
__scs_entry_jumppad:
0x0: {  	(pc) =	sbr.rel $0x88, $3  }
0x1: {  	(tag) =	ssettag $0x0;
	lr =	simm.s32 $0x1  }
0x2: {  	[smem:$0x3F96] =	sst lr;
	_ =	strace $0xD0000000  }
0x3: {  	_ = 	snop  }
0x4: {  	_ = 	snop  }
0x5: {  	_ = 	snop  }
0x6: {  	_ = 	snop  }
0x7: {  	_ = 	snop  }
__scs_overlays_trampoline_lowered:
0x8: {  	[smem:$0x3FA5] =	sst s0  }
0x9: {  	[smem:$0x3FA6] =	sst s1  }
0xa: {  	[smem:$0x3FA7] =	sst s2  }
0xb: {  	[smem:$0x3FA8] =	sst s3  }
0xc: {  	[smem:$0x3FA9] =	sst s4  }
0xd: {  	[smem:$0x3FAA] =	sst s5  }
0xe: {  	[smem:$0x3FAB] =	sst s6  }
0xf: {  	[smem:$0x3FAC] =	sst s7  }
0x10: {  	[smem:$0x3FAD] =	sst s8  }
0x11: {  	[smem:$0x3FAE] =	sst s9;
	s0 =	simm.s32 @!p0 $0x0  }
0x12: {  	s1 =	sld [smem:$0x3F94];
	s0 =	simm.s32 @p0 $0x1  }
0x13: {  	[smem:$0x3FAF] =	sst s0;
	s0 =	simm.s32 @!p1 $0x0  }
0x14: {  	s2 =	sld [smem:$0x3F93];
	s0 =	simm.s32 @p1 $0x1  }
0x15: {  	[smem:$0x3FB0] =	sst s0;
	s0 =	simm.s32 @!p2 $0x0  }
0x16: {  	s3 =	sld [smem:$0x3FDB];
	s0 =	simm.s32 @p2 $0x1  }
0x17: {  	s4 =	simm.s32 $0x1BF5;
	[smem:$0x3FB2] =	sst s0  }
0x18: {  	s0 =	sld [smem:$0x3F95];
	_ =	swait.ge [sflag:s4], $0x0  }
0x19: {  	s7 =	sld [smem:$0x3F96]  }
0x1a: {  	s8 =	sadd.s32 $0xFFFFE003, lr  }
0x1b: {  	s9 =	sadd.s32 $0xFFFFFEF7, lr;
	s5 =	simm.s32 $0xFFFFFFFF;
	p2 =	slt.u32 s8, $0xFFFFF086  }
0x1c: {  	p1 =	slt.u32 s9, $0xF7A;
	s5 =	simm.s32 @!p2 $0x0  }
0x1d: {  	s5 =	simm.s32 @p1 $0x1;
	p0 =	seq.s32 s7, s2  }
0x1e: {  	s7 =	smul.u32 @!p0 $0xF7A, s2;
	p2 =	seq.s32 @!p0 s5, $0x0  }
0x1f: {  	s9 =	smul.u32 $0xF7A, s1;
	s8 =	simm.s32 @!p0 $0x1BF5;
	p2 =	por !p2, p0  }
0x20: {  	[sflag:s8] =	ssyncset.s32 @!p0 $0xFFFFF086;
	s6 =	sadd.s32 @!p0 s3, s7;
	s7 =	simm.s32 @!p0 $0x108  }
0x21: {  	s3 =	sadd.s32 s3, s9;
	s6 =	sadd.s32 @!p0 $0x88, s6;
	s7 =	simm.s32 @p2 $0x1082  }
0x22: {  	[simem:s7], [sflag:s8] =	dma.local @!p0 [hbm:s6], $0xF7A  }
0x23: {  	s9 =	sor.u32 $0xD0000000, s2;
	s6 =	simm.s32 $0x108;
	_ =	swait.ge @!p0 [sflag:s8], $0x0  }
0x24: {  	s3 =	sadd.s32 $0x88, s3;
	s6 =	simm.s32 @!p1 $0x1082;
	[sflag:s4] =	ssyncset.s32 $0xFFFFF086  }
0x25: {  	[simem:s6], [sflag:s4] =	dma.local [hbm:s3], $0xF7A  }
0x26: {  	[smem:$0x3F96] =	sst s1;
	(tag) =	ssettag s2;
	_ =	strace s9  }
0x27: {  	s1 =	sld [smem:$0x3FA6]  }
0x28: {  	s2 =	sld [smem:$0x3FA7]  }
0x29: {  	s4 =	sld [smem:$0x3FA9]  }
0x2a: {  	p0 =	seq.s32 s5, $0x0;
	s5 =	sld [smem:$0x3FAA]  }
0x2b: {  	s6 =	sld [smem:$0x3FAB]  }
0x2c: {  	s7 =	sld [smem:$0x3FAC]  }
0x2d: {  	s3 =	simm.s32 $0x108;
	s8 =	sld [smem:$0x3FAD]  }
0x2e: {  	s3 =	simm.s32 @!p0 $0x1082;
	s9 =	sld [smem:$0x3FAE]  }
0x2f: {  	lr =	sadd.s32 s0, s3;
	s0 =	sld [smem:$0x3FA5]  }
0x30: {  	s3 =	sld [smem:$0x3FA8]  }
0x31: {  	[smem:$0x3FB1] =	sst s10  }
0x32: {  	s10 =	sld [smem:$0x3FAF];
	_ =	sdelay $0x3  }
0x33: {  	p0 =	seq.s32 s10, $0x1;
	s10 =	sld [smem:$0x3FB1];
	_ =	sdelay $0x3  }
0x34: {  	[smem:$0x3FB1] =	sst s10  }
0x35: {  	s10 =	sld [smem:$0x3FB0];
	_ =	sdelay $0x3  }
0x36: {  	p1 =	seq.s32 s10, $0x1;
	s10 =	sld [smem:$0x3FB1];
	_ =	sdelay $0x3  }
0x37: {  	[smem:$0x3FB1] =	sst s10  }
0x38: {  	s10 =	sld [smem:$0x3FB2]  }
0x39: {  	_ = 	snop;
	(pc) =	sbr.ind lr, $3  }
0x3a: {  	_ = 	snop  }
0x3b: {  	_ = 	snop  }
0x3c: {  	p2 =	seq.s32 s10, $0x1;
	s10 =	sld [smem:$0x3FB1]  }
0x3d: {  	_ =	shalt  }
0x3e: {  	_ =	shalt  }
0x3f: {  	_ =	shalt  }
0x40: {  	_ =	shalt  }
0x41: {  	_ =	shalt  }
0x42: {  	_ =	shalt  }
0x43: {  	_ =	shalt  }
0x44: {  	_ =	shalt  }
0x45: {  	_ =	shalt  }
0x46: {  	_ =	shalt  }
0x47: {  	_ =	shalt  }
0x48: {  	_ =	shalt  }
0x49: {  	_ =	shalt  }
0x4a: {  	_ =	shalt  }
0x4b: {  	_ =	shalt  }
0x4c: {  	_ =	shalt  }
0x4d: {  	_ =	shalt  }
0x4e: {  	_ =	shalt  }
0x4f: {  	_ =	shalt  }
0x50: {  	_ =	shalt  }
0x51: {  	_ =	shalt  }
0x52: {  	_ =	shalt  }
0x53: {  	_ =	shalt  }
0x54: {  	_ =	shalt  }
0x55: {  	_ =	shalt  }
0x56: {  	_ =	shalt  }
0x57: {  	_ =	shalt  }
0x58: {  	_ =	shalt  }
0x59: {  	_ =	shalt  }
0x5a: {  	_ =	shalt  }
0x5b: {  	_ =	shalt  }
0x5c: {  	_ =	shalt  }
0x5d: {  	_ =	shalt  }
0x5e: {  	_ =	shalt  }
0x5f: {  	_ =	shalt  }
0x60: {  	_ =	shalt  }
0x61: {  	_ =	shalt  }
0x62: {  	_ =	shalt  }
0x63: {  	_ =	shalt  }
0x64: {  	_ =	shalt  }
0x65: {  	_ =	shalt  }
0x66: {  	_ =	shalt  }
0x67: {  	_ =	shalt  }
0x68: {  	_ =	shalt  }
0x69: {  	_ =	shalt  }
0x6a: {  	_ =	shalt  }
0x6b: {  	_ =	shalt  }
0x6c: {  	_ =	shalt  }
0x6d: {  	_ =	shalt  }
0x6e: {  	_ =	shalt  }
0x6f: {  	_ =	shalt  }
0x70: {  	_ =	shalt  }
0x71: {  	_ =	shalt  }
0x72: {  	_ =	shalt  }
0x73: {  	_ =	shalt  }
0x74: {  	_ =	shalt  }
0x75: {  	_ =	shalt  }
0x76: {  	_ =	shalt  }
0x77: {  	_ =	shalt  }
0x78: {  	_ =	shalt  }
0x79: {  	_ =	shalt  }
0x7a: {  	_ =	shalt  }
0x7b: {  	_ =	shalt  }
0x7c: {  	_ =	shalt  }
0x7d: {  	_ =	shalt  }
0x7e: {  	_ =	shalt  }
0x7f: {  	_ =	shalt  }
0x80: {  	_ =	shalt  }
0x81: {  	_ =	shalt  }
0x82: {  	_ =	shalt  }
0x83: {  	_ =	shalt  }
0x84: {  	_ =	shalt  }
0x85: {  	_ =	shalt  }
0x86: {  	_ =	shalt  }
0x87: {  	_ =	shalt  }
.Lfunc_end0:
.L_simem_size_0:
called_computation.3_lowered:
.L_overlay_start_0:
0x88: {  	s2 =	sld [smem:$0x3FD9]  }
0x89: {  	s3 =	sld [smem:$0x3FFE];
	_ =	sdelay $0x1  }
0x8a: {  	s1 =	srdreg.scid  }
0x8b: {  	s0 =	sand.u32 $0x1, s1  }
0x8c: {  	s16 =	sshll.u32 s0, $0xA;
	s2 =	sadd.s32 s3, s2  }
0x8d: {  	s2 =	sadd.s32 s2, s16  }
0x8e: {  	[smem:$0x3FBD] =	sst s2  }
0x8f: {  	_ = 	snop  }
0x90: {  	(tm) =	ssettm $0x1  }
0x91: {  	s17 =	sld [smem:$0x3FFB];
	_ =	sdelay $0x3  }
0x92: {  	_ =	strace s17  }
0x93: {  	s2 =	sld [smem:$0x3FFC];
	_ =	sdelay $0x3  }
0x94: {  	_ =	strace s2  }
0x95: {  	s2 =	sld [smem:$0x3FFD];
	_ =	sdelay $0x3  }
0x96: {  	_ =	strace s2  }
0x97: {  	_ =	strace $0x8FFFFFFF  }
0x98: {  	s18 =	sld [smem:$0x3FDB];
	_ =	sdelay $0x1  }
0x99: {  	s19 =	simm.s32 $_scs_section_size  }
0x9a: {  	s4 =	simm.s32 $_size__tile_overlayer_lowered;
	s5 =	simm.s32 $_tile_overlayer_lowered  }
0x9b: {  	s22 =	simm.s32 $0x1BFF;
	s21 =	sshll.u32 s5, $0x1;
	s2 =	sadd.s32 s19, s18  }
0x9c: {  	s6 =	simm.s32 $0x0;
	s20 =	sshll.u32 s4, $0x1;
	s4 =	sadd.s32 s21, s2  }
0x9d: {  	[timem:s6], [sflag:s22] =	dma.local [hbm:s4], s20  }
0x9e: {  	_ =	swait.ge [sflag:s22], s20  }
0x9f: {  	s3 =	ssub.s32 $0x0, s20;
	[sflag:s22] =	ssyncset.done $0x0  }
0xa0: {  	[sflag:s22] =	ssyncadd.s32 s3;
	_ =	sdelay $0x1  }
0xa1: {  	s23 =	simm.s32 $0x1B8B  }
0xa2: {  	_ =	swait.ge [sflag:s23], $0x1  }
0xa3: {  	[sflag:s23] =	ssyncset.done $0x0  }
0xa4: {  	s25 =	simm.s32 $0x1B8E;
	s24 =	sld [smem:$0x3FFE];
	[sflag:s23] =	ssyncadd.s32 $0xFFFFFFFF  }
0xa5: {  	s26 =	simm.s32 $execute0_lowered;
	[smem:$0x3FD2] =	sst s25  }
0xa6: {  	s4 =	sshll.u32 s26, $0x1;
	_ =	strace $0x8000004F;
	[dreg:$0x1] =	wrdreg $0xFFFFFFFF  }
0xa7: {  	s28 =	simm.s32 $_size_execute0_lowered;
	s2 =	sadd.s32 s2, s4;
	[dreg:$0x0] =	wrdreg $0x0  }
0xa8: {  	s4 =	sshll.u32 s28, $0x1;
	[dreg:$0x2] =	wrdreg s2  }
0xa9: {  	[dreg:$0x3] =	wrdreg s4  }
0xaa: {  	[dreg:$0x4] =	wrdreg $0xC0  }
0xab: {  	_ =	task [dreg:s6], $0x5FFFF  }
0xac: {  	[dreg:$0x1] =	wrdreg $0xFFFFFFFF  }
0xad: {  	[dreg:$0x0] =	wrdreg $0x60  }
0xae: {  	[dreg:$0x2] =	wrdreg s24  }
0xaf: {  	[dreg:$0x3] =	wrdreg $0x90000  }
0xb0: {  	[dreg:$0x4] =	wrdreg $0x9  }
0xb1: {  	_ =	task.clear_ibuf [dreg:s6], $0x5FFFF;
	_ =	strace $0x9000004F  }
0xb2: {  	s29 =	simm.s32 $0x9;
	_ =	strace $0x80000051  }
0xb3: {  	_ =	swait.ge [sflag:s29], $0x1  }
0xb4: {  	[sflag:s29] =	ssyncadd.s32 $0xFFFFFFFF  }
0xb5: {  	_ =	strace $0x90000051  }
0xb6: {  	_ =	sfence  }
0xb7: {  	s30 =	sld [smem:$0x0];
	_ =	sdelay $0x2  }
0xb8: {  	s31 =	sshll.u32 s1, $0xD;
	s1 =	sshrl.u32 s1, $0x2  }
0xb9: {  	s3 =	sand.u32 $0x4000, s31;
	s1 =	sadd.s32 s1, s30  }
0xba: {  	s0 =	sor.u32 s3, s0;
	s1 =	sshll.u32 s1, $0x11  }
0xbb: {  	s0 =	sor.u32 s1, s0  }
0xbc: {  	s0 =	sadd.s32 $0x8F2B, s0  }
0xbd: {  	[sflag:s0] =	ssyncadd.remote.s32 $0x1  }
0xbe: {  	_ =	sfence.sel $0xFFFF  }
0xbf: {  	[dreg:$0x0] =	wrdreg $0xFFFFFFFF;
	(pc) =	sbr.abs _section_cstart, $3  }
0xc0: {  	[dreg:$0x1] =	wrdreg $0xFFFFFFFF  }
0xc1: {  	_ =	task.clear_ibuf [dreg:s6], $0x2FFFF;
	_ =	strace $0x9FFFFFFF  }
0xc2: {  	(tm) =	ssettm $0x7FFFFFFF  }
0xc3: {  	_ =	shalt  }
tec
execute0_lowered:
.L_overlay_start_1:
0x0: {  	(tag) =	ssettag $0x1  }
0x1: {  	s0 =	srdreg.scid;
	s5 =	rddreg [dreg:$0x0]  }
0x2: {  	s1 =	rddreg [dreg:$0x1];
	s10 =	stileid.u32  }
0x3: {  	s2 =	simm.s32 $0x0;
	s14 =	simm.s32 $0x3;
	s15 =	simm.s32 $0x4  }
0x4: {  	s6 =	sand.u32 $0x1, s0;
	s0 =	rddreg [dreg:$0x2];
	s8 =	smul.u32 $0x4F000, s10  }
0x5: {  	s16 =	simm.s32 $0x0;
	[smem:$0x7FF] =	sst s2;
	s12 =	smul.u32 $0x13C00, s10  }
0x6: {  	s13 =	sadd.s32 $0x7E000, s5;
	s30 =	sshll.u32 s10, $0x6;
	p0 =	sne.s32 s10, $0x0  }
0x7: {  	s3 =	sshll.u32 s6, $0x4;
	_ =	strace $0x80000050;
	s9 =	ssub.s32 $0x2, s6  }
0x8: {  	s6 =	smul.u32 $0x140000, s6;
	s3 =	sor.u32 s10, s3;
	s11 =	sshrl.u32 s9, $0x1  }
0x9: {  	s8 =	sshrl.u32 s8, $0x2;
	s4 =	smul.u32 $0xA00, s3;
	s3 =	sadd.s32 $0x3800, s5  }
0xa: {  	s9 =	ssub.s32 s9, s11;
	s29 =	sadd.s32 s8, s1;
	s31 =	sshrl.u32 s6, $0x3  }
.Ltmp0:
0xb: {  	s6 =	sadd.s32 s12, s6;
	s11 =	simm.s32 $0x5;
	(pc) =	sbr.rel .LBB2_1-.Ltmp0, $4  }
0xc: {  	s8 =	sadd.s32 s13, s31;
	s12 =	sshrl.u32 s6, $0x3;
	s9 =	smax.u32 s9, $0x1  }
0xd: {  	s10 =	sshrl.u32 s29, $0x3;
	s7 =	sadd.s32 s4, s5;
	s4 =	sadd.s32 $0x2B800, s5  }
0xe: {  	s5 =	sor.u32 $0x1C05, s30;
	s6 =	sadd.s32 $0x6A000, s7;
	s7 =	sadd.s32 $0x27800, s8  }
0xf: {  	s8 =	sadd.s32 s13, s12;
	s12 =	simm.s32 $0x5000;
	s13 =	simm.s32 $0x40  }
.LBB2_7:
0x10: {  	_ =	swait.ge [sflag:s14], $0x2000  }
0x11: {  	[sflag:s14] =	ssyncset.done $0x0  }
0x12: {  	[sflag:s14] =	ssyncadd.s32 $0xFFFFE000  }
0x13: {  	_ =	swait.ge [sflag:s15], $0x2000  }
0x14: {  	s16 =	sadd.s32 $0x1, s16;
	[sflag:s15] =	ssyncset.done $0x0  }
0x15: {  	p1 =	sne.s32 s16, s9;
	[sflag:s15] =	ssyncadd.s32 $0xFFFFE000  }
.Ltmp1:
0x16: {  	[bflag:$0x0] =	sbarrier.arrive $0xFFFF;
	(pc) =	sbr.rel @!p1 .LBB2_8-.Ltmp1, $4  }
0x17: {  	[hbm:s8], [sflag:s5] =	dma.local [spmem:s10], $0x2780  }
0x18: {  	_ =	swait.ge [sflag:s11], $0x2780  }
0x19: {  	[sflag:s11] =	ssyncset.done $0x0  }
0x1a: {  	[sflag:s11] =	ssyncadd.s32 $0xFFFFD880  }
.LBB2_1:
0x1b: {  	[spmem:s10], [sflag:s5] =	dma.local [hbm:s4], $0x2780  }
0x1c: {  	_ =	swait.ge [sflag:s11], $0x2780  }
0x1d: {  	[sflag:s11] =	ssyncset.done $0x0  }
0x1e: {  	[sflag:s11] =	ssyncadd.s32 $0xFFFFD880  }
0x1f: {  	[tilespmem:s2], [sflag:$0x5] =	stream.linear.gather [hbm4b:s6+s2], $0x5000, $0x38;
	[tilespmem:$0x1CC00] =	vst v63  }
0x20: {  	_ =	swait.ge [sflag:s11], $0x5000  }
0x21: {  	[sflag:s11] =	ssyncset.done $0x0  }
0x22: {  	s17 =	simm.s32 @!p0 $0x5;
	[sflag:s11] =	ssyncadd.s32 $0xFFFFB000  }
0x23: {  	[hbm:s7], [sflag:s5] =	dma.local @!p0 [hbm:s4], $0x800  }
.Ltmp2:
0x24: {  	_ =	swait.ge @!p0 [sflag:s17], $0x800;
	(pc) =	sbr.rel .LBB2_2-.Ltmp2, $4  }
0x25: {  	[sflag:s17] =	ssyncset.done @!p0 $0x0  }
0x26: {  	[sflag:s17] =	ssyncadd.s32 @!p0 $0xFFFFF800  }
0x27: {  	s18 =	simm.s32 $0x40;
	s17 =	simm.s32 $0x1;
	[bflag:$0x0] =	sbarrier.arrive $0xFFFF  }
0x28: {  	[tilespmem:s12], [sflag:$0x1] =	stream.indirect.gather [hbm4b:s3+s13], $0x80, s2, s13, $0xb8;
	[tilespmem:$0x1CC00] =	vst v63  }
.LBB2_5:
0x29: {  	s21 =	sshll.u32 s20, $0xD  }
0x2a: {  	s22 =	sadd.s32 $0x40, s18;
	s31 =	sadd.s32 $0x1, s20;
	s21 =	sor.u32 $0x5000, s21  }
0x2b: {  	[tilespmem:s21], [sflag:s31] =	stream.indirect.gather [hbm4b:s3+s13], $0x80, s22, s13, $0xb8;
	[tilespmem:$0x1CC00] =	vst v63  }
.LBB2_6:
0x2c: {  	s19 =	sand.u32 $0x1, s19;
	s17 =	sadd.s32 $0x1, s17  }
0x2d: {  	s20 =	sadd.s32 $0x1, s19;
	p1 =	sne.s32 s17, $0xA1  }
.Ltmp3:
0x2e: {  	_ =	swait.ge [sflag:s20], $0x2000;
	(pc) =	sbr.rel @!p1 .LBB2_7-.Ltmp3, $4  }
0x2f: {  	s21 =	sshll.u32 s19, $0xD;
	[sflag:s20] =	ssyncset.done $0x0  }
0x30: {  	s19 =	sadd.s32 $0x3, s19;
	s21 =	sor.u32 $0x5000, s21;
	[sflag:s20] =	ssyncadd.s32 $0xFFFFE000  }
0x31: {  	[spmem:s1] =	stream.indirect.scatter.add.f32 [tilespmem:s21], [sflag:s19], $0x80, s18, s13, $0xb8;
	[tilespmem:$0x1CC00] =	vst v63  }
0x32: {  	s18 =	sadd.s32 $0x80, s18  }
.LBB2_2:
0x33: {  	s19 =	sadd.s32 $0xFFFFFFFF, s17  }
0x34: {  	p1 =	seq.s32 s19, $0x0  }
.Ltmp4:
0x35: {  	_ = 	snop;
	(pc) =	sbr.rel @p1 .LBB2_5-.Ltmp4, $2  }
0x36: {  	_ =	sdelay $0x2  }
0x37: {  	s20 =	sand.u32 $0x1, s17  }
0x38: {  	p1 =	seq.s32 s19, $0x9F  }
.Ltmp5:
0x39: {  	_ = 	snop;
	(pc) =	sbr.rel @p1 .LBB2_6-.Ltmp5, $1  }
0x3a: {  	_ =	sdelay $0x3  }
.Ltmp6:
0x3b: {  	(pc) =	sbr.rel .LBB2_5-.Ltmp6, $4  }
0x3c: {  	s21 =	sadd.s32 $0x3, s20  }
0x3d: {  	_ =	swait.ge [sflag:s21], $0x2000  }
0x3e: {  	[sflag:s21] =	ssyncset.done $0x0  }
0x3f: {  	[sflag:s21] =	ssyncadd.s32 $0xFFFFE000  }
.LBB2_8:
0x40: {  	_ =	sfence.sel $0x180000  }
0x41: {  	[bflag:$0x0] =	sbarrier.arrive $0xFFFF  }
0x42: {  	_ =	strace $0x90000050  }
0x43: {  	s0 =	sadd.s32 @!p0 $0x100000, s0;
	[bflag:$0x2] =	sbarrier.arrive $0xFFFF  }
0x44: {  	[sflag:s0] =	ssyncadd.tile.s32 @!p0 $0x1;
	_ =	shalt  }
.Lfunc_end2:
_tile_overlayer_lowered:
.L_overlay_start_2:
0x45: {  	(tag) =	ssettag $0x2  }
0x46: {  	s0 =	rddreg [dreg:$0x0];
	s2 =	stileid.u32  }
0x47: {  	s1 =	rddreg [dreg:$0x1];
	p0 =	sne.s32 s2, $0x0  }
0x48: {  	s3 =	rddreg [dreg:$0x2];
	[bflag:$0x3] =	sbarrier.arrive $0xFFFF;
	s2 =	simm.s32 @!p0 $0x1C05  }
0x49: {  	[timem:s3], [sflag:s2] =	dma.local @!p0 [hbm:s0], s1  }
0x4a: {  	s0 =	simm.s32 @!p0 $0x5  }
0x4b: {  	_ =	swait.ge @!p0 [sflag:s0], s1  }
0x4c: {  	s1 =	ssub.s32 @!p0 $0x0, s1;
	[sflag:s0] =	ssyncset.done @!p0 $0x0  }
0x4d: {  	[sflag:s0] =	ssyncadd.s32 @!p0 s1  }
0x4e: {  	[bflag:$0x3] =	sbarrier.arrive $0xFFFF  }
0x4f: {  	_ =	shalt  }

</sc_bundles>
